<compile_context>
chip_gen: v7x
topology: tpu7x:2x2x1
jax: 0.10.2.dev20260603
libtpu: 0.0.44.dev20260713+nightly
codegen_flags: <defaults>
</compile_context>

<pallas_src>
import functools

import jax
import jax.numpy as jnp
from jax import lax
from jax.experimental import pallas as pl
from jax.experimental.pallas import tpu as pltpu
from jax.experimental.pallas import tpu_sc as plsc

NC = 2
NS = 16
NW = NC * NS

CHUNK = 40
SETS = 2
HALVES = 1


def _pack_halves(v):
    d = v.shape[-1]
    h = d // 2
    bits = lax.bitcast_convert_type(v.astype(jnp.bfloat16), jnp.uint16)
    lo = bits[:, :h].astype(jnp.uint32)
    hi = bits[:, h:].astype(jnp.uint32)
    return lax.bitcast_convert_type(lo | (hi << 16), jnp.int32)


def _tables_body(x_ref, w1_ref, w2_ref, wrbf_ref, w3_ref, y_ref, z_ref, w3c_ref):
    x = x_ref[...]
    y_ref[...] = _pack_halves(
        jnp.dot(x, w1_ref[...], preferred_element_type=jnp.float32))
    z_ref[...] = _pack_halves(
        jnp.dot(x, w2_ref[...], preferred_element_type=jnp.float32))
    w3c_ref[...] = jnp.dot(wrbf_ref[...], w3_ref[...],
                           preferred_element_type=jnp.float32)


def _make_tables(x, w1, w2, wrbf, w3):
    n, d = x.shape
    return pl.pallas_call(
        _tables_body,
        out_shape=(
            jax.ShapeDtypeStruct((n, d // 2), jnp.int32),
            jax.ShapeDtypeStruct((n, d // 2), jnp.int32),
            jax.ShapeDtypeStruct((wrbf.shape[0], d), jnp.float32),
        ),
    )(x, w1, w2, wrbf, w3)


def _sc_gather_body(epw, d2, y_hbm, z_hbm, idxj_hbm, idxi_hbm, g_hbm,
                    idxja, idxia, y_sp, z_sp, *bufs):
    d = 2 * d2
    sid = lax.axis_index("s")
    wid = sid * NC + lax.axis_index("c")
    base0 = wid * epw
    nchunks = epw // CHUNK
    yj = bufs[0:SETS]
    zi = bufs[SETS:2 * SETS]
    sm = bufs[2 * SETS:3 * SETS]
    gsem = bufs[3 * SETS:4 * SETS]
    wsem = bufs[4 * SETS:5 * SETS]

    n_nodes = y_sp.shape[0]
    share = n_nodes // NS
    row0 = sid * share
    pltpu.sync_copy(y_hbm.at[pl.ds(row0, share)], y_sp.at[pl.ds(row0, share)])
    pltpu.sync_copy(z_hbm.at[pl.ds(row0, share)], z_sp.at[pl.ds(row0, share)])

    plsc.subcore_barrier()

    pltpu.sync_copy(idxj_hbm.at[pl.ds(base0, epw)], idxja)
    pltpu.sync_copy(idxi_hbm.at[pl.ds(base0, epw)], idxia)

    def start_chunk(chunk, b):
        off = chunk * CHUNK
        pltpu.async_copy(y_sp.at[idxja.at[pl.ds(off, CHUNK)]], yj[b], gsem[b])
        pltpu.async_copy(z_sp.at[idxia.at[pl.ds(off, CHUNK)]], zi[b], gsem[b])

    for b in range(SETS):
        start_chunk(b, b)

    hi_mask = jnp.uint32(0xFFFF0000)
    half = jnp.uint32(0x8000)

    @pl.loop(0, nchunks, step=SETS)
    def _chunks(c):
        for b in range(SETS):
            chunk = c + b
            base = base0 + chunk * CHUNK
            pltpu.make_async_copy(y_sp.at[idxja.at[pl.ds(0, CHUNK)]],
                                  yj[b], gsem[b]).wait()
            pltpu.make_async_copy(z_sp.at[idxia.at[pl.ds(0, CHUNK)]],
                                  zi[b], gsem[b]).wait()

            @pl.when(chunk >= SETS)
            def _drain():
                pltpu.make_async_copy(
                    sm[b], g_hbm.at[pl.ds(0, CHUNK * d)], wsem[b]).wait()

            yjb, zib, smb = yj[b], zi[b], sm[b]

            @plsc.parallel_loop(0, CHUNK, unroll=2)
            def _rows(i):
                for k in range(d2 // 16):
                    sl = pl.ds(k * 16, 16)
                    wa = plsc.bitcast(yjb[i, sl], jnp.uint32)
                    wc = plsc.bitcast(zib[i, sl], jnp.uint32)
                    slo = (plsc.bitcast(wa << 16, jnp.float32)
                           + plsc.bitcast(wc << 16, jnp.float32))
                    shi = (plsc.bitcast(wa & hi_mask, jnp.float32)
                           + plsc.bitcast(wc & hi_mask, jnp.float32))
                    smb[pl.ds(i * d + k * 16, 16)] = slo
                    smb[pl.ds(i * d + d2 + k * 16, 16)] = shi

            pltpu.async_copy(smb, g_hbm.at[pl.ds(base * d, CHUNK * d)],
                             wsem[b])

            @pl.when(chunk + SETS < nchunks)
            def _prefetch():
                start_chunk(chunk + SETS, b)

    for b in range(SETS):
        pltpu.make_async_copy(sm[b], g_hbm.at[pl.ds(0, CHUNK * d)],
                              wsem[b]).wait()


def _sc_gather(y32, z32, idx_j, idx_i):
    e = idx_j.shape[0]
    n_nodes = y32.shape[0]
    d2 = y32.shape[1]
    d = 2 * d2
    assert e % (NW * CHUNK) == 0 and (e // (NW * CHUNK)) % SETS == 0
    epw = e // NW
    mesh = plsc.VectorSubcoreMesh(core_axis_name="c", subcore_axis_name="s",
                                  num_cores=NC, num_subcores=NS)
    kern = pl.kernel(
        functools.partial(_sc_gather_body, epw, d2),
        out_type=jax.ShapeDtypeStruct((e * d,), jnp.float32),
        mesh=mesh,
        compiler_params=pltpu.CompilerParams(needs_layout_passes=False,
                                             use_tc_tiling_on_sc=False),
        scratch_types=(
            [pltpu.VMEM((epw,), jnp.int32)] * 2
            + [pltpu.VMEM_SHARED((n_nodes, d2), jnp.int32)] * 2
            + [pltpu.VMEM((CHUNK, d2), jnp.int32)] * (2 * SETS)
            + [pltpu.VMEM((CHUNK * d,), jnp.float32)] * SETS
            + [pltpu.SemaphoreType.DMA] * (2 * SETS)
        ),
    )
    return kern(y32, z32, idx_j, idx_i)


def _combine_body(block, d, g_ref, rbf_ref, w3c_ref, b_ref, out_ref):
    g = g_ref[...].reshape(block, d)
    s = (g
         + jnp.dot(rbf_ref[...], w3c_ref[...],
                   preferred_element_type=jnp.float32)
         + b_ref[...])
    out_ref[...] = s * jax.nn.sigmoid(s)


def _combine_body_alias(block, d, g_ref, rbf_ref, w3c_ref, b_ref, prev_ref,
                        out_ref):
    del prev_ref
    _combine_body(block, d, g_ref, rbf_ref, w3c_ref, b_ref, out_ref)


def _combine_half(g1d_half, rbf, w3c, b2d, block, half, prev_out):
    e, nrad = rbf.shape
    d = g1d_half.shape[0] * HALVES // e
    eh = e // HALVES
    assert eh % block == 0
    base = half * (eh // block)
    grid = (eh // block,)
    in_specs = [
        pl.BlockSpec((block * d,), lambda i: (i,)),
        pl.BlockSpec((block, nrad), lambda i: (i + base, 0)),
        pl.BlockSpec((nrad, d), lambda i: (0, 0)),
        pl.BlockSpec((1, d), lambda i: (0, 0)),
    ]
    args = [g1d_half, rbf, w3c, b2d]
    kwargs = {}
    if prev_out is not None:
        in_specs.append(pl.BlockSpec(memory_space=pl.ANY))
        args.append(prev_out)
        kwargs = dict(input_output_aliases={4: 0})
    body = functools.partial(_combine_body, block, d)
    if prev_out is not None:
        body = functools.partial(_combine_body_alias, block, d)
    return pl.pallas_call(
        body,
        grid=grid,
        in_specs=in_specs,
        out_specs=pl.BlockSpec((block, d), lambda i: (i + base, 0)),
        out_shape=jax.ShapeDtypeStruct((e, d), jnp.float32),
        **kwargs,
    )(*args)


def kernel(x, rbf, idx_i, idx_j, W_rbf, W_edge, b_edge):
    d = x.shape[1]
    w1 = W_edge[:d]
    w2 = W_edge[d:2 * d]
    w3 = W_edge[2 * d:]
    idx_i = idx_i.astype(jnp.int32)
    idx_j = idx_j.astype(jnp.int32)

    y32, z32, w3c = _make_tables(x, w1, w2, W_rbf, w3)
    e = idx_j.shape[0]
    eh = e // HALVES
    b2d = b_edge.reshape(1, d)
    out = None
    for h in range(HALVES):
        sl = slice(h * eh, (h + 1) * eh)
        g1d = _sc_gather(y32, z32, idx_j[sl], idx_i[sl])
        out = _combine_half(g1d, rbf, w3c, b2d, 8000, h, out)
    return out

# --- scband reference (transcript-rebuilt; emitter-appended) ---
"""Pipeline reference for scband-edge-embed-48490180772446 (READ-ONLY COPY).

The authoritative reference and input builder live on the scoring server;
editing this copy changes nothing except your own understanding.
"""

import jax, jax.numpy as jnp
import numpy as np

N_NODES = 10000
N_EDGES = 320000
NODE_DIM = 128
EDGE_DIM = 128
N_RAD = 16


def setup_inputs(seed: int = 0) -> dict:
    key = jax.random.key(seed)
    k1, k2, k3, k4, k5, k6, k7 = jax.random.split(key, 7)
    x = jax.random.normal(k1, (N_NODES, NODE_DIM), dtype=jnp.float32)
    rbf = jax.random.uniform(k2, (N_EDGES, N_RAD), dtype=jnp.float32)
    idx_i = jax.random.randint(k3, (N_EDGES,), 0, N_NODES, dtype=jnp.int64 if jax.config.jax_enable_x64 else jnp.int32)
    idx_j = jax.random.randint(k4, (N_EDGES,), 0, N_NODES, dtype=jnp.int64 if jax.config.jax_enable_x64 else jnp.int32)
    # Dense(n_rad, edge_dim, bias=False) weights (glorot-like scale)
    W_rbf = jax.random.normal(k5, (N_RAD, EDGE_DIM), dtype=jnp.float32) * (2.0 / (N_RAD + EDGE_DIM)) ** 0.5
    # Dense(2*node_dim + edge_dim, edge_dim, bias=True)
    fan_in = 2 * NODE_DIM + EDGE_DIM
    W_edge = jax.random.normal(k6, (fan_in, EDGE_DIM), dtype=jnp.float32) * (2.0 / (fan_in + EDGE_DIM)) ** 0.5
    b_edge = jnp.zeros((EDGE_DIM,), dtype=jnp.float32)
    return {"x": x, "rbf": rbf, "idx_i": idx_i, "idx_j": idx_j, "W_rbf": W_rbf, "W_edge": W_edge, "b_edge": b_edge}


def _swish(v, beta=1.0):
    return v * jax.nn.sigmoid(beta * v)


def reference(x, rbf, idx_i, idx_j, W_rbf, W_edge, b_edge):
    # rbf = self.rbf_lin(rbf)  -> linear, no bias
    rbf_e = rbf @ W_rbf
    # gather node embeddings for both endpoints of each edge
    xj = jnp.take(x, idx_j, axis=0)
    xi = jnp.take(x, idx_i, axis=0)
    h = jnp.concatenate([xj, xi, rbf_e], axis=-1)
    # Dense + Swish(beta=1.0)
    out = h @ W_edge + b_edge
    return _swish(out, 1.0)

if __name__ == "__main__":
    import jax
    _d = setup_inputs()
    print(jax.jit(kernel)(*tuple(_d.values())))

</pallas_src>

<mosaic_0001>
#map = affine_map<(d0, d1) -> (0, 0)>
#map1 = affine_map<(d0, d1) -> (0)>
module attributes {stable_mosaic.version = 14 : i64} {
  func.func @_sc_gather_body(%arg0: i32, %arg1: i32, %arg2: memref<10000x64xi32, #tpu.memory_space<hbm>>, %arg3: memref<10000x64xi32, #tpu.memory_space<hbm>>, %arg4: memref<320000xi32, #tpu.memory_space<hbm>>, %arg5: memref<320000xi32, #tpu.memory_space<hbm>>, %arg6: memref<40960000xf32, #tpu.memory_space<hbm>>, %arg7: memref<10000xi32, #tpu.memory_space<vmem>>, %arg8: memref<10000xi32, #tpu.memory_space<vmem>>, %arg9: memref<10000x64xi32, #tpu.memory_space<vmem_shared>>, %arg10: memref<10000x64xi32, #tpu.memory_space<vmem_shared>>, %arg11: memref<40x64xi32, #tpu.memory_space<vmem>>, %arg12: memref<40x64xi32, #tpu.memory_space<vmem>>, %arg13: memref<40x64xi32, #tpu.memory_space<vmem>>, %arg14: memref<40x64xi32, #tpu.memory_space<vmem>>, %arg15: memref<5120xf32, #tpu.memory_space<vmem>>, %arg16: memref<5120xf32, #tpu.memory_space<vmem>>, %arg17: memref<!tpu.dma_semaphore, #tpu.memory_space<semaphore_mem>>, %arg18: memref<!tpu.dma_semaphore, #tpu.memory_space<semaphore_mem>>, %arg19: memref<!tpu.dma_semaphore, #tpu.memory_space<semaphore_mem>>, %arg20: memref<!tpu.dma_semaphore, #tpu.memory_space<semaphore_mem>>) attributes {dimension_semantics = [#tpu.dimension_semantics<core_parallel>, #tpu.dimension_semantics<subcore_parallel>], iteration_bounds = array<i64: 2, 16>, scalar_prefetch = 0 : i64, scratch_operands = 14 : i64, tpu.core_type = #tpu.core_type<sc_vector_subcore>, window_params = [{transform_indices = #map}, {transform_indices = #map}, {transform_indices = #map1}, {transform_indices = #map1}, {transform_indices = #map1}]} {
    %mul3A = arith.constant 2 : i32
    %mul3A_0 = arith.muli %arg1, %mul3A : i32
    %add3A = arith.addi %mul3A_0, %arg0 : i32
    %mul3A_1 = arith.constant 10000 : i32
    %mul3A_2 = arith.muli %add3A, %mul3A_1 : i32
    %mul3A_3 = arith.constant 625 : i32
    %mul3A_4 = arith.muli %arg1, %mul3A_3 : i32
    "tpu.region"() ({
      %run_scoped3A = tpu.sem_alloc : memref<!tpu.dma_semaphore, #tpu.memory_space<semaphore_mem>>
      %dma_start3A_36 = arith.constant 0 : i32
      %dma_start3A_37 = tpu.memref_slice %arg9[%mul3A_4, %dma_start3A_36] : memref<10000x64xi32, #tpu.memory_space<vmem_shared>> -> memref<625x64xi32, #tpu.memory_space<vmem_shared>>
      %dma_start3A_38 = arith.constant 0 : i32
      %dma_start3A_39 = tpu.memref_slice %arg2[%mul3A_4, %dma_start3A_38] : memref<10000x64xi32, #tpu.memory_space<hbm>> -> memref<625x64xi32, #tpu.memory_space<hbm>>
      tpu.enqueue_dma source(%dma_start3A_39 : memref<625x64xi32, #tpu.memory_space<hbm>>) target(%dma_start3A_37 : memref<625x64xi32, #tpu.memory_space<vmem_shared>>) target_semaphore(%run_scoped3A : memref<!tpu.dma_semaphore, #tpu.memory_space<semaphore_mem>>)
      %dma_wait3A_40 = arith.constant 0 : i32
      %dma_wait3A_41 = tpu.memref_slice %arg9[%mul3A_4, %dma_wait3A_40] : memref<10000x64xi32, #tpu.memory_space<vmem_shared>> -> memref<625x64xi32, #tpu.memory_space<vmem_shared>>
      %dma_wait3A_42 = arith.constant 0 : i32
      %dma_wait3A_43 = tpu.memref_slice %arg2[%mul3A_4, %dma_wait3A_42] : memref<10000x64xi32, #tpu.memory_space<hbm>> -> memref<625x64xi32, #tpu.memory_space<hbm>>
      tpu.wait_dma2 semaphore(%run_scoped3A : memref<!tpu.dma_semaphore, #tpu.memory_space<semaphore_mem>>) src(%dma_wait3A_43 : memref<625x64xi32, #tpu.memory_space<hbm>>) dst(%dma_wait3A_41 : memref<625x64xi32, #tpu.memory_space<vmem_shared>>)
      tpu.yield
    }) : () -> ()
    "tpu.region"() ({
      %run_scoped3A = tpu.sem_alloc : memref<!tpu.dma_semaphore, #tpu.memory_space<semaphore_mem>>
      %dma_start3A_36 = arith.constant 0 : i32
      %dma_start3A_37 = tpu.memref_slice %arg10[%mul3A_4, %dma_start3A_36] : memref<10000x64xi32, #tpu.memory_space<vmem_shared>> -> memref<625x64xi32, #tpu.memory_space<vmem_shared>>
      %dma_start3A_38 = arith.constant 0 : i32
      %dma_start3A_39 = tpu.memref_slice %arg3[%mul3A_4, %dma_start3A_38] : memref<10000x64xi32, #tpu.memory_space<hbm>> -> memref<625x64xi32, #tpu.memory_space<hbm>>
      tpu.enqueue_dma source(%dma_start3A_39 : memref<625x64xi32, #tpu.memory_space<hbm>>) target(%dma_start3A_37 : memref<625x64xi32, #tpu.memory_space<vmem_shared>>) target_semaphore(%run_scoped3A : memref<!tpu.dma_semaphore, #tpu.memory_space<semaphore_mem>>)
      %dma_wait3A_40 = arith.constant 0 : i32
      %dma_wait3A_41 = tpu.memref_slice %arg10[%mul3A_4, %dma_wait3A_40] : memref<10000x64xi32, #tpu.memory_space<vmem_shared>> -> memref<625x64xi32, #tpu.memory_space<vmem_shared>>
      %dma_wait3A_42 = arith.constant 0 : i32
      %dma_wait3A_43 = tpu.memref_slice %arg3[%mul3A_4, %dma_wait3A_42] : memref<10000x64xi32, #tpu.memory_space<hbm>> -> memref<625x64xi32, #tpu.memory_space<hbm>>
      tpu.wait_dma2 semaphore(%run_scoped3A : memref<!tpu.dma_semaphore, #tpu.memory_space<semaphore_mem>>) src(%dma_wait3A_43 : memref<625x64xi32, #tpu.memory_space<hbm>>) dst(%dma_wait3A_41 : memref<625x64xi32, #tpu.memory_space<vmem_shared>>)
      tpu.yield
    }) : () -> ()
    %barrier3A = arith.constant 0 : index
    tpu.barrier barrier_id(%barrier3A)
    "tpu.region"() ({
      %run_scoped3A = tpu.sem_alloc : memref<!tpu.dma_semaphore, #tpu.memory_space<semaphore_mem>>
      %dma_start3A_36 = tpu.memref_slice %arg4[%mul3A_2] : memref<320000xi32, #tpu.memory_space<hbm>> -> memref<10000xi32, #tpu.memory_space<hbm>>
      %dma_start3A_37 = tpu.memref_slice %arg4[%mul3A_2] : memref<320000xi32, #tpu.memory_space<hbm>> -> memref<10000xi32, #tpu.memory_space<hbm>>
      tpu.enqueue_dma source(%dma_start3A_37 : memref<10000xi32, #tpu.memory_space<hbm>>) target(%arg7 : memref<10000xi32, #tpu.memory_space<vmem>>) target_semaphore(%run_scoped3A : memref<!tpu.dma_semaphore, #tpu.memory_space<semaphore_mem>>)
      %dma_wait3A_38 = tpu.memref_slice %arg4[%mul3A_2] : memref<320000xi32, #tpu.memory_space<hbm>> -> memref<10000xi32, #tpu.memory_space<hbm>>
      %dma_wait3A_39 = tpu.memref_slice %arg4[%mul3A_2] : memref<320000xi32, #tpu.memory_space<hbm>> -> memref<10000xi32, #tpu.memory_space<hbm>>
      tpu.wait_dma2 semaphore(%run_scoped3A : memref<!tpu.dma_semaphore, #tpu.memory_space<semaphore_mem>>) src(%dma_wait3A_39 : memref<10000xi32, #tpu.memory_space<hbm>>) dst(%arg7 : memref<10000xi32, #tpu.memory_space<vmem>>)
      tpu.yield
    }) : () -> ()
    "tpu.region"() ({
      %run_scoped3A = tpu.sem_alloc : memref<!tpu.dma_semaphore, #tpu.memory_space<semaphore_mem>>
      %dma_start3A_36 = tpu.memref_slice %arg5[%mul3A_2] : memref<320000xi32, #tpu.memory_space<hbm>> -> memref<10000xi32, #tpu.memory_space<hbm>>
      %dma_start3A_37 = tpu.memref_slice %arg5[%mul3A_2] : memref<320000xi32, #tpu.memory_space<hbm>> -> memref<10000xi32, #tpu.memory_space<hbm>>
      tpu.enqueue_dma source(%dma_start3A_37 : memref<10000xi32, #tpu.memory_space<hbm>>) target(%arg8 : memref<10000xi32, #tpu.memory_space<vmem>>) target_semaphore(%run_scoped3A : memref<!tpu.dma_semaphore, #tpu.memory_space<semaphore_mem>>)
      %dma_wait3A_38 = tpu.memref_slice %arg5[%mul3A_2] : memref<320000xi32, #tpu.memory_space<hbm>> -> memref<10000xi32, #tpu.memory_space<hbm>>
      %dma_wait3A_39 = tpu.memref_slice %arg5[%mul3A_2] : memref<320000xi32, #tpu.memory_space<hbm>> -> memref<10000xi32, #tpu.memory_space<hbm>>
      tpu.wait_dma2 semaphore(%run_scoped3A : memref<!tpu.dma_semaphore, #tpu.memory_space<semaphore_mem>>) src(%dma_wait3A_39 : memref<10000xi32, #tpu.memory_space<hbm>>) dst(%arg8 : memref<10000xi32, #tpu.memory_space<vmem>>)
      tpu.yield
    }) : () -> ()
    %dma_start3A = arith.constant 0 : i32
    %dma_start3A_5 = tpu.memref_slice %arg7[%dma_start3A] : memref<10000xi32, #tpu.memory_space<vmem>> -> memref<40xi32, #tpu.memory_space<vmem>>
    %dma_start3A_6 = arith.constant 0 : i32
    %dma_start3A_7 = arith.constant 0 : i32
    %dma_start3A_8 = tpu.memref_slice %arg9[%dma_start3A_6, %dma_start3A_7] : memref<10000x64xi32, #tpu.memory_space<vmem_shared>> -> memref<10000x64xi32, #tpu.memory_space<vmem_shared>>
    tpu.enqueue_indirect_dma source(%dma_start3A_8 : memref<10000x64xi32, #tpu.memory_space<vmem_shared>>) target(%arg11 : memref<40x64xi32, #tpu.memory_space<vmem>>) offsets(%dma_start3A_5 : memref<40xi32, #tpu.memory_space<vmem>>) semaphore(%arg17 : memref<!tpu.dma_semaphore, #tpu.memory_space<semaphore_mem>>)
    %dma_start3A_9 = arith.constant 0 : i32
    %dma_start3A_10 = tpu.memref_slice %arg8[%dma_start3A_9] : memref<10000xi32, #tpu.memory_space<vmem>> -> memref<40xi32, #tpu.memory_space<vmem>>
    %dma_start3A_11 = arith.constant 0 : i32
    %dma_start3A_12 = arith.constant 0 : i32
    %dma_start3A_13 = tpu.memref_slice %arg10[%dma_start3A_11, %dma_start3A_12] : memref<10000x64xi32, #tpu.memory_space<vmem_shared>> -> memref<10000x64xi32, #tpu.memory_space<vmem_shared>>
    tpu.enqueue_indirect_dma source(%dma_start3A_13 : memref<10000x64xi32, #tpu.memory_space<vmem_shared>>) target(%arg13 : memref<40x64xi32, #tpu.memory_space<vmem>>) offsets(%dma_start3A_10 : memref<40xi32, #tpu.memory_space<vmem>>) semaphore(%arg17 : memref<!tpu.dma_semaphore, #tpu.memory_space<semaphore_mem>>)
    %dma_start3A_14 = arith.constant 40 : i32
    %dma_start3A_15 = tpu.memref_slice %arg7[%dma_start3A_14] : memref<10000xi32, #tpu.memory_space<vmem>> -> memref<40xi32, #tpu.memory_space<vmem>>
    %dma_start3A_16 = arith.constant 0 : i32
    %dma_start3A_17 = arith.constant 0 : i32
    %dma_start3A_18 = tpu.memref_slice %arg9[%dma_start3A_16, %dma_start3A_17] : memref<10000x64xi32, #tpu.memory_space<vmem_shared>> -> memref<10000x64xi32, #tpu.memory_space<vmem_shared>>
    tpu.enqueue_indirect_dma source(%dma_start3A_18 : memref<10000x64xi32, #tpu.memory_space<vmem_shared>>) target(%arg12 : memref<40x64xi32, #tpu.memory_space<vmem>>) offsets(%dma_start3A_15 : memref<40xi32, #tpu.memory_space<vmem>>) semaphore(%arg18 : memref<!tpu.dma_semaphore, #tpu.memory_space<semaphore_mem>>)
    %dma_start3A_19 = arith.constant 40 : i32
    %dma_start3A_20 = tpu.memref_slice %arg8[%dma_start3A_19] : memref<10000xi32, #tpu.memory_space<vmem>> -> memref<40xi32, #tpu.memory_space<vmem>>
    %dma_start3A_21 = arith.constant 0 : i32
    %dma_start3A_22 = arith.constant 0 : i32
    %dma_start3A_23 = tpu.memref_slice %arg10[%dma_start3A_21, %dma_start3A_22] : memref<10000x64xi32, #tpu.memory_space<vmem_shared>> -> memref<10000x64xi32, #tpu.memory_space<vmem_shared>>
    tpu.enqueue_indirect_dma source(%dma_start3A_23 : memref<10000x64xi32, #tpu.memory_space<vmem_shared>>) target(%arg14 : memref<40x64xi32, #tpu.memory_space<vmem>>) offsets(%dma_start3A_20 : memref<40xi32, #tpu.memory_space<vmem>>) semaphore(%arg18 : memref<!tpu.dma_semaphore, #tpu.memory_space<semaphore_mem>>)
    %scan3A = arith.constant -65536 : i32
    %scan3A_24 = arith.constant 0 : i32
    %scan3A_25 = arith.constant 125 : i32
    %scan3A_26 = arith.addi %scan3A_24, %scan3A_25 : i32
    %scan3A_27 = arith.constant 1 : i32
    scf.for %scan3A_36 = %scan3A_24 to %scan3A_26 step %scan3A_27  : i32 {
      %mul3A_37 = arith.constant 2 : i32
      %mul3A_38 = arith.muli %scan3A_36, %mul3A_37 : i32
      %add3A_39 = arith.constant 0 : i32
      %add3A_40 = arith.addi %add3A_39, %mul3A_38 : i32
      %add3A_41 = arith.constant 0 : i32
      %add3A_42 = arith.addi %add3A_40, %add3A_41 : i32
      %mul3A_43 = arith.constant 40 : i32
      %mul3A_44 = arith.muli %add3A_42, %mul3A_43 : i32
      %add3A_45 = arith.addi %mul3A_2, %mul3A_44 : i32
      %dma_wait3A_46 = arith.constant 0 : i32
      %dma_wait3A_47 = tpu.memref_slice %arg7[%dma_wait3A_46] : memref<10000xi32, #tpu.memory_space<vmem>> -> memref<40xi32, #tpu.memory_space<vmem>>
      %dma_wait3A_48 = arith.constant 0 : i32
      %dma_wait3A_49 = arith.constant 0 : i32
      %dma_wait3A_50 = tpu.memref_slice %arg9[%dma_wait3A_48, %dma_wait3A_49] : memref<10000x64xi32, #tpu.memory_space<vmem_shared>> -> memref<10000x64xi32, #tpu.memory_space<vmem_shared>>
      tpu.wait_indirect_dma semaphore(%arg17 : memref<!tpu.dma_semaphore, #tpu.memory_space<semaphore_mem>>) src(%dma_wait3A_50 : memref<10000x64xi32, #tpu.memory_space<vmem_shared>>) dst(%arg11 : memref<40x64xi32, #tpu.memory_space<vmem>>)
      %dma_wait3A_51 = arith.constant 0 : i32
      %dma_wait3A_52 = tpu.memref_slice %arg8[%dma_wait3A_51] : memref<10000xi32, #tpu.memory_space<vmem>> -> memref<40xi32, #tpu.memory_space<vmem>>
      %dma_wait3A_53 = arith.constant 0 : i32
      %dma_wait3A_54 = arith.constant 0 : i32
      %dma_wait3A_55 = tpu.memref_slice %arg10[%dma_wait3A_53, %dma_wait3A_54] : memref<10000x64xi32, #tpu.memory_space<vmem_shared>> -> memref<10000x64xi32, #tpu.memory_space<vmem_shared>>
      tpu.wait_indirect_dma semaphore(%arg17 : memref<!tpu.dma_semaphore, #tpu.memory_space<semaphore_mem>>) src(%dma_wait3A_55 : memref<10000x64xi32, #tpu.memory_space<vmem_shared>>) dst(%arg13 : memref<40x64xi32, #tpu.memory_space<vmem>>)
      %ge3A = arith.constant 2 : i32
      %ge3A_56 = arith.cmpi sge, %add3A_42, %ge3A : i32
      %convert_element_type3A = arith.extui %ge3A_56 : i1 to i32
      %cond3A = arith.constant 0 : i32
      %cond3A_57 = arith.cmpi ne, %convert_element_type3A, %cond3A : i32
      scf.if %cond3A_57 {
        %dma_wait3A_104 = arith.constant 0 : i32
        %dma_wait3A_105 = tpu.memref_slice %arg6[%dma_wait3A_104] : memref<40960000xf32, #tpu.memory_space<hbm>> -> memref<5120xf32, #tpu.memory_space<hbm>>
        %dma_wait3A_106 = arith.constant 0 : i32
        %dma_wait3A_107 = tpu.memref_slice %arg6[%dma_wait3A_106] : memref<40960000xf32, #tpu.memory_space<hbm>> -> memref<5120xf32, #tpu.memory_space<hbm>>
        tpu.wait_dma2 semaphore(%arg19 : memref<!tpu.dma_semaphore, #tpu.memory_space<semaphore_mem>>) src(%arg15 : memref<5120xf32, #tpu.memory_space<vmem>>) dst(%dma_wait3A_107 : memref<5120xf32, #tpu.memory_space<hbm>>)
      } else {
      }
      %parallel_loop3A = arith.constant 0 : i32
      %parallel_loop3A_58 = arith.constant 40 : i32
      %parallel_loop3A_59 = arith.constant 1 : i32
      scf.for %parallel_loop3A_104 = %parallel_loop3A to %parallel_loop3A_58 step %parallel_loop3A_59  : i32 {
        %parallel_loop3A_105 = arith.index_cast %parallel_loop3A_104 : i32 to index
        %parallel_loop3A_106 = arith.constant 0 : index
        %parallel_loop3A_107 = tpu.vector_load %arg11[%parallel_loop3A_105, %parallel_loop3A_106] {strides = array<i32>} : memref<40x64xi32, #tpu.memory_space<vmem>>, vector<16xi32>,
        %parallel_loop3A_108 = vector.bitcast %parallel_loop3A_107 : vector<16xi32> to vector<16xi32>
        %parallel_loop3A_109 = arith.index_cast %parallel_loop3A_104 : i32 to index
        %parallel_loop3A_110 = arith.constant 0 : index
        %parallel_loop3A_111 = tpu.vector_load %arg13[%parallel_loop3A_109, %parallel_loop3A_110] {strides = array<i32>} : memref<40x64xi32, #tpu.memory_space<vmem>>, vector<16xi32>,
        %parallel_loop3A_112 = vector.bitcast %parallel_loop3A_111 : vector<16xi32> to vector<16xi32>
        %parallel_loop3A_113 = arith.constant 16 : i32
        %parallel_loop3A_114 = vector.broadcast %parallel_loop3A_113 : i32 to vector<16xi32>
        %parallel_loop3A_115 = arith.shli %parallel_loop3A_108, %parallel_loop3A_114 : vector<16xi32>
        %parallel_loop3A_116 = vector.bitcast %parallel_loop3A_115 : vector<16xi32> to vector<16xf32>
        %parallel_loop3A_117 = arith.constant 16 : i32
        %parallel_loop3A_118 = vector.broadcast %parallel_loop3A_117 : i32 to vector<16xi32>
        %parallel_loop3A_119 = arith.shli %parallel_loop3A_112, %parallel_loop3A_118 : vector<16xi32>
        %parallel_loop3A_120 = vector.bitcast %parallel_loop3A_119 : vector<16xi32> to vector<16xf32>
        %parallel_loop3A_121 = arith.addf %parallel_loop3A_116, %parallel_loop3A_120 : vector<16xf32>
        %parallel_loop3A_122 = vector.broadcast %scan3A : i32 to vector<16xi32>
        %parallel_loop3A_123 = arith.andi %parallel_loop3A_108, %parallel_loop3A_122 : vector<16xi32>
        %parallel_loop3A_124 = vector.bitcast %parallel_loop3A_123 : vector<16xi32> to vector<16xf32>
        %parallel_loop3A_125 = vector.broadcast %scan3A : i32 to vector<16xi32>
        %parallel_loop3A_126 = arith.andi %parallel_loop3A_112, %parallel_loop3A_125 : vector<16xi32>
        %parallel_loop3A_127 = vector.bitcast %parallel_loop3A_126 : vector<16xi32> to vector<16xf32>
        %parallel_loop3A_128 = arith.addf %parallel_loop3A_124, %parallel_loop3A_127 : vector<16xf32>
        %parallel_loop3A_129 = arith.constant 128 : i32
        %parallel_loop3A_130 = arith.muli %parallel_loop3A_104, %parallel_loop3A_129 : i32
        %parallel_loop3A_131 = arith.constant 0 : i32
        %parallel_loop3A_132 = arith.addi %parallel_loop3A_130, %parallel_loop3A_131 : i32
        %parallel_loop3A_133 = arith.index_cast %parallel_loop3A_132 : i32 to index
        %parallel_loop3A_134 = tpu.vector_load %arg15[%parallel_loop3A_133] {strides = array<i32>} : memref<5120xf32, #tpu.memory_space<vmem>>, vector<16xf32>,
        tpu.vector_store %arg15[%parallel_loop3A_133], %parallel_loop3A_121 {strides = array<i32>} : memref<5120xf32, #tpu.memory_space<vmem>>, vector<16xf32>,
        %parallel_loop3A_135 = arith.constant 128 : i32
        %parallel_loop3A_136 = arith.muli %parallel_loop3A_104, %parallel_loop3A_135 : i32
        %parallel_loop3A_137 = arith.constant 64 : i32
        %parallel_loop3A_138 = arith.addi %parallel_loop3A_136, %parallel_loop3A_137 : i32
        %parallel_loop3A_139 = arith.constant 0 : i32
        %parallel_loop3A_140 = arith.addi %parallel_loop3A_138, %parallel_loop3A_139 : i32
        %parallel_loop3A_141 = arith.index_cast %parallel_loop3A_140 : i32 to index
        %parallel_loop3A_142 = tpu.vector_load %arg15[%parallel_loop3A_141] {strides = array<i32>} : memref<5120xf32, #tpu.memory_space<vmem>>, vector<16xf32>,
        tpu.vector_store %arg15[%parallel_loop3A_141], %parallel_loop3A_128 {strides = array<i32>} : memref<5120xf32, #tpu.memory_space<vmem>>, vector<16xf32>,
        %parallel_loop3A_143 = arith.index_cast %parallel_loop3A_104 : i32 to index
        %parallel_loop3A_144 = arith.constant 16 : index
        %parallel_loop3A_145 = tpu.vector_load %arg11[%parallel_loop3A_143, %parallel_loop3A_144] {strides = array<i32>} : memref<40x64xi32, #tpu.memory_space<vmem>>, vector<16xi32>,
        %parallel_loop3A_146 = vector.bitcast %parallel_loop3A_145 : vector<16xi32> to vector<16xi32>
        %parallel_loop3A_147 = arith.index_cast %parallel_loop3A_104 : i32 to index
        %parallel_loop3A_148 = arith.constant 16 : index
        %parallel_loop3A_149 = tpu.vector_load %arg13[%parallel_loop3A_147, %parallel_loop3A_148] {strides = array<i32>} : memref<40x64xi32, #tpu.memory_space<vmem>>, vector<16xi32>,
        %parallel_loop3A_150 = vector.bitcast %parallel_loop3A_149 : vector<16xi32> to vector<16xi32>
        %parallel_loop3A_151 = arith.constant 16 : i32
        %parallel_loop3A_152 = vector.broadcast %parallel_loop3A_151 : i32 to vector<16xi32>
        %parallel_loop3A_153 = arith.shli %parallel_loop3A_146, %parallel_loop3A_152 : vector<16xi32>
        %parallel_loop3A_154 = vector.bitcast %parallel_loop3A_153 : vector<16xi32> to vector<16xf32>
        %parallel_loop3A_155 = arith.constant 16 : i32
        %parallel_loop3A_156 = vector.broadcast %parallel_loop3A_155 : i32 to vector<16xi32>
        %parallel_loop3A_157 = arith.shli %parallel_loop3A_150, %parallel_loop3A_156 : vector<16xi32>
        %parallel_loop3A_158 = vector.bitcast %parallel_loop3A_157 : vector<16xi32> to vector<16xf32>
        %parallel_loop3A_159 = arith.addf %parallel_loop3A_154, %parallel_loop3A_158 : vector<16xf32>
        %parallel_loop3A_160 = vector.broadcast %scan3A : i32 to vector<16xi32>
        %parallel_loop3A_161 = arith.andi %parallel_loop3A_146, %parallel_loop3A_160 : vector<16xi32>
        %parallel_loop3A_162 = vector.bitcast %parallel_loop3A_161 : vector<16xi32> to vector<16xf32>
        %parallel_loop3A_163 = vector.broadcast %scan3A : i32 to vector<16xi32>
        %parallel_loop3A_164 = arith.andi %parallel_loop3A_150, %parallel_loop3A_163 : vector<16xi32>
        %parallel_loop3A_165 = vector.bitcast %parallel_loop3A_164 : vector<16xi32> to vector<16xf32>
        %parallel_loop3A_166 = arith.addf %parallel_loop3A_162, %parallel_loop3A_165 : vector<16xf32>
        %parallel_loop3A_167 = arith.constant 128 : i32
        %parallel_loop3A_168 = arith.muli %parallel_loop3A_104, %parallel_loop3A_167 : i32
        %parallel_loop3A_169 = arith.constant 16 : i32
        %parallel_loop3A_170 = arith.addi %parallel_loop3A_168, %parallel_loop3A_169 : i32
        %parallel_loop3A_171 = arith.index_cast %parallel_loop3A_170 : i32 to index
        %parallel_loop3A_172 = tpu.vector_load %arg15[%parallel_loop3A_171] {strides = array<i32>} : memref<5120xf32, #tpu.memory_space<vmem>>, vector<16xf32>,
        tpu.vector_store %arg15[%parallel_loop3A_171], %parallel_loop3A_159 {strides = array<i32>} : memref<5120xf32, #tpu.memory_space<vmem>>, vector<16xf32>,
        %parallel_loop3A_173 = arith.constant 128 : i32
        %parallel_loop3A_174 = arith.muli %parallel_loop3A_104, %parallel_loop3A_173 : i32
        %parallel_loop3A_175 = arith.constant 64 : i32
        %parallel_loop3A_176 = arith.addi %parallel_loop3A_174, %parallel_loop3A_175 : i32
        %parallel_loop3A_177 = arith.constant 16 : i32
        %parallel_loop3A_178 = arith.addi %parallel_loop3A_176, %parallel_loop3A_177 : i32
        %parallel_loop3A_179 = arith.index_cast %parallel_loop3A_178 : i32 to index
        %parallel_loop3A_180 = tpu.vector_load %arg15[%parallel_loop3A_179] {strides = array<i32>} : memref<5120xf32, #tpu.memory_space<vmem>>, vector<16xf32>,
        tpu.vector_store %arg15[%parallel_loop3A_179], %parallel_loop3A_166 {strides = array<i32>} : memref<5120xf32, #tpu.memory_space<vmem>>, vector<16xf32>,
        %parallel_loop3A_181 = arith.index_cast %parallel_loop3A_104 : i32 to index
        %parallel_loop3A_182 = arith.constant 32 : index
        %parallel_loop3A_183 = tpu.vector_load %arg11[%parallel_loop3A_181, %parallel_loop3A_182] {strides = array<i32>} : memref<40x64xi32, #tpu.memory_space<vmem>>, vector<16xi32>,
        %parallel_loop3A_184 = vector.bitcast %parallel_loop3A_183 : vector<16xi32> to vector<16xi32>
        %parallel_loop3A_185 = arith.index_cast %parallel_loop3A_104 : i32 to index
        %parallel_loop3A_186 = arith.constant 32 : index
        %parallel_loop3A_187 = tpu.vector_load %arg13[%parallel_loop3A_185, %parallel_loop3A_186] {strides = array<i32>} : memref<40x64xi32, #tpu.memory_space<vmem>>, vector<16xi32>,
        %parallel_loop3A_188 = vector.bitcast %parallel_loop3A_187 : vector<16xi32> to vector<16xi32>
        %parallel_loop3A_189 = arith.constant 16 : i32
        %parallel_loop3A_190 = vector.broadcast %parallel_loop3A_189 : i32 to vector<16xi32>
        %parallel_loop3A_191 = arith.shli %parallel_loop3A_184, %parallel_loop3A_190 : vector<16xi32>
        %parallel_loop3A_192 = vector.bitcast %parallel_loop3A_191 : vector<16xi32> to vector<16xf32>
        %parallel_loop3A_193 = arith.constant 16 : i32
        %parallel_loop3A_194 = vector.broadcast %parallel_loop3A_193 : i32 to vector<16xi32>
        %parallel_loop3A_195 = arith.shli %parallel_loop3A_188, %parallel_loop3A_194 : vector<16xi32>
        %parallel_loop3A_196 = vector.bitcast %parallel_loop3A_195 : vector<16xi32> to vector<16xf32>
        %parallel_loop3A_197 = arith.addf %parallel_loop3A_192, %parallel_loop3A_196 : vector<16xf32>
        %parallel_loop3A_198 = vector.broadcast %scan3A : i32 to vector<16xi32>
        %parallel_loop3A_199 = arith.andi %parallel_loop3A_184, %parallel_loop3A_198 : vector<16xi32>
        %parallel_loop3A_200 = vector.bitcast %parallel_loop3A_199 : vector<16xi32> to vector<16xf32>
        %parallel_loop3A_201 = vector.broadcast %scan3A : i32 to vector<16xi32>
        %parallel_loop3A_202 = arith.andi %parallel_loop3A_188, %parallel_loop3A_201 : vector<16xi32>
        %parallel_loop3A_203 = vector.bitcast %parallel_loop3A_202 : vector<16xi32> to vector<16xf32>
        %parallel_loop3A_204 = arith.addf %parallel_loop3A_200, %parallel_loop3A_203 : vector<16xf32>
        %parallel_loop3A_205 = arith.constant 128 : i32
        %parallel_loop3A_206 = arith.muli %parallel_loop3A_104, %parallel_loop3A_205 : i32
        %parallel_loop3A_207 = arith.constant 32 : i32
        %parallel_loop3A_208 = arith.addi %parallel_loop3A_206, %parallel_loop3A_207 : i32
        %parallel_loop3A_209 = arith.index_cast %parallel_loop3A_208 : i32 to index
        %parallel_loop3A_210 = tpu.vector_load %arg15[%parallel_loop3A_209] {strides = array<i32>} : memref<5120xf32, #tpu.memory_space<vmem>>, vector<16xf32>,
        tpu.vector_store %arg15[%parallel_loop3A_209], %parallel_loop3A_197 {strides = array<i32>} : memref<5120xf32, #tpu.memory_space<vmem>>, vector<16xf32>,
        %parallel_loop3A_211 = arith.constant 128 : i32
        %parallel_loop3A_212 = arith.muli %parallel_loop3A_104, %parallel_loop3A_211 : i32
        %parallel_loop3A_213 = arith.constant 64 : i32
        %parallel_loop3A_214 = arith.addi %parallel_loop3A_212, %parallel_loop3A_213 : i32
        %parallel_loop3A_215 = arith.constant 32 : i32
        %parallel_loop3A_216 = arith.addi %parallel_loop3A_214, %parallel_loop3A_215 : i32
        %parallel_loop3A_217 = arith.index_cast %parallel_loop3A_216 : i32 to index
        %parallel_loop3A_218 = tpu.vector_load %arg15[%parallel_loop3A_217] {strides = array<i32>} : memref<5120xf32, #tpu.memory_space<vmem>>, vector<16xf32>,
        tpu.vector_store %arg15[%parallel_loop3A_217], %parallel_loop3A_204 {strides = array<i32>} : memref<5120xf32, #tpu.memory_space<vmem>>, vector<16xf32>,
        %parallel_loop3A_219 = arith.index_cast %parallel_loop3A_104 : i32 to index
        %parallel_loop3A_220 = arith.constant 48 : index
        %parallel_loop3A_221 = tpu.vector_load %arg11[%parallel_loop3A_219, %parallel_loop3A_220] {strides = array<i32>} : memref<40x64xi32, #tpu.memory_space<vmem>>, vector<16xi32>,
        %parallel_loop3A_222 = vector.bitcast %parallel_loop3A_221 : vector<16xi32> to vector<16xi32>
        %parallel_loop3A_223 = arith.index_cast %parallel_loop3A_104 : i32 to index
        %parallel_loop3A_224 = arith.constant 48 : index
        %parallel_loop3A_225 = tpu.vector_load %arg13[%parallel_loop3A_223, %parallel_loop3A_224] {strides = array<i32>} : memref<40x64xi32, #tpu.memory_space<vmem>>, vector<16xi32>,
        %parallel_loop3A_226 = vector.bitcast %parallel_loop3A_225 : vector<16xi32> to vector<16xi32>
        %parallel_loop3A_227 = arith.constant 16 : i32
        %parallel_loop3A_228 = vector.broadcast %parallel_loop3A_227 : i32 to vector<16xi32>
        %parallel_loop3A_229 = arith.shli %parallel_loop3A_222, %parallel_loop3A_228 : vector<16xi32>
        %parallel_loop3A_230 = vector.bitcast %parallel_loop3A_229 : vector<16xi32> to vector<16xf32>
        %parallel_loop3A_231 = arith.constant 16 : i32
        %parallel_loop3A_232 = vector.broadcast %parallel_loop3A_231 : i32 to vector<16xi32>
        %parallel_loop3A_233 = arith.shli %parallel_loop3A_226, %parallel_loop3A_232 : vector<16xi32>
        %parallel_loop3A_234 = vector.bitcast %parallel_loop3A_233 : vector<16xi32> to vector<16xf32>
        %parallel_loop3A_235 = arith.addf %parallel_loop3A_230, %parallel_loop3A_234 : vector<16xf32>
        %parallel_loop3A_236 = vector.broadcast %scan3A : i32 to vector<16xi32>
        %parallel_loop3A_237 = arith.andi %parallel_loop3A_222, %parallel_loop3A_236 : vector<16xi32>
        %parallel_loop3A_238 = vector.bitcast %parallel_loop3A_237 : vector<16xi32> to vector<16xf32>
        %parallel_loop3A_239 = vector.broadcast %scan3A : i32 to vector<16xi32>
        %parallel_loop3A_240 = arith.andi %parallel_loop3A_226, %parallel_loop3A_239 : vector<16xi32>
        %parallel_loop3A_241 = vector.bitcast %parallel_loop3A_240 : vector<16xi32> to vector<16xf32>
        %parallel_loop3A_242 = arith.addf %parallel_loop3A_238, %parallel_loop3A_241 : vector<16xf32>
        %parallel_loop3A_243 = arith.constant 128 : i32
        %parallel_loop3A_244 = arith.muli %parallel_loop3A_104, %parallel_loop3A_243 : i32
        %parallel_loop3A_245 = arith.constant 48 : i32
        %parallel_loop3A_246 = arith.addi %parallel_loop3A_244, %parallel_loop3A_245 : i32
        %parallel_loop3A_247 = arith.index_cast %parallel_loop3A_246 : i32 to index
        %parallel_loop3A_248 = tpu.vector_load %arg15[%parallel_loop3A_247] {strides = array<i32>} : memref<5120xf32, #tpu.memory_space<vmem>>, vector<16xf32>,
        tpu.vector_store %arg15[%parallel_loop3A_247], %parallel_loop3A_235 {strides = array<i32>} : memref<5120xf32, #tpu.memory_space<vmem>>, vector<16xf32>,
        %parallel_loop3A_249 = arith.constant 128 : i32
        %parallel_loop3A_250 = arith.muli %parallel_loop3A_104, %parallel_loop3A_249 : i32
        %parallel_loop3A_251 = arith.constant 64 : i32
        %parallel_loop3A_252 = arith.addi %parallel_loop3A_250, %parallel_loop3A_251 : i32
        %parallel_loop3A_253 = arith.constant 48 : i32
        %parallel_loop3A_254 = arith.addi %parallel_loop3A_252, %parallel_loop3A_253 : i32
        %parallel_loop3A_255 = arith.index_cast %parallel_loop3A_254 : i32 to index
        %parallel_loop3A_256 = tpu.vector_load %arg15[%parallel_loop3A_255] {strides = array<i32>} : memref<5120xf32, #tpu.memory_space<vmem>>, vector<16xf32>,
        tpu.vector_store %arg15[%parallel_loop3A_255], %parallel_loop3A_242 {strides = array<i32>} : memref<5120xf32, #tpu.memory_space<vmem>>, vector<16xf32>,
      } {sc.loop_unroll_factor = 2 : i64, sc.parallel_access}
      %mul3A_60 = arith.constant 128 : i32
      %mul3A_61 = arith.muli %add3A_45, %mul3A_60 : i32
      %dma_start3A_62 = tpu.memref_slice %arg6[%mul3A_61] : memref<40960000xf32, #tpu.memory_space<hbm>> -> memref<5120xf32, #tpu.memory_space<hbm>>
      %dma_start3A_63 = tpu.memref_slice %arg6[%mul3A_61] : memref<40960000xf32, #tpu.memory_space<hbm>> -> memref<5120xf32, #tpu.memory_space<hbm>>
      tpu.enqueue_dma source(%arg15 : memref<5120xf32, #tpu.memory_space<vmem>>) target(%dma_start3A_63 : memref<5120xf32, #tpu.memory_space<hbm>>) target_semaphore(%arg19 : memref<!tpu.dma_semaphore, #tpu.memory_space<semaphore_mem>>)
      %add3A_64 = arith.constant 2 : i32
      %add3A_65 = arith.addi %add3A_42, %add3A_64 : i32
      %lt3A = arith.constant 250 : i32
      %lt3A_66 = arith.cmpi slt, %add3A_65, %lt3A : i32
      %convert_element_type3A_67 = arith.extui %lt3A_66 : i1 to i32
      %cond3A_68 = arith.constant 0 : i32
      %cond3A_69 = arith.cmpi ne, %convert_element_type3A_67, %cond3A_68 : i32
      scf.if %cond3A_69 {
        %add3A_104 = arith.constant 2 : i32
        %add3A_105 = arith.addi %add3A_42, %add3A_104 : i32
        %mul3A_106 = arith.constant 40 : i32
        %mul3A_107 = arith.muli %add3A_105, %mul3A_106 : i32
        %dma_start3A_108 = tpu.memref_slice %arg7[%mul3A_107] : memref<10000xi32, #tpu.memory_space<vmem>> -> memref<40xi32, #tpu.memory_space<vmem>>
        %dma_start3A_109 = arith.constant 0 : i32
        %dma_start3A_110 = arith.constant 0 : i32
        %dma_start3A_111 = tpu.memref_slice %arg9[%dma_start3A_109, %dma_start3A_110] : memref<10000x64xi32, #tpu.memory_space<vmem_shared>> -> memref<10000x64xi32, #tpu.memory_space<vmem_shared>>
        tpu.enqueue_indirect_dma source(%dma_start3A_111 : memref<10000x64xi32, #tpu.memory_space<vmem_shared>>) target(%arg11 : memref<40x64xi32, #tpu.memory_space<vmem>>) offsets(%dma_start3A_108 : memref<40xi32, #tpu.memory_space<vmem>>) semaphore(%arg17 : memref<!tpu.dma_semaphore, #tpu.memory_space<semaphore_mem>>)
        %dma_start3A_112 = tpu.memref_slice %arg8[%mul3A_107] : memref<10000xi32, #tpu.memory_space<vmem>> -> memref<40xi32, #tpu.memory_space<vmem>>
        %dma_start3A_113 = arith.constant 0 : i32
        %dma_start3A_114 = arith.constant 0 : i32
        %dma_start3A_115 = tpu.memref_slice %arg10[%dma_start3A_113, %dma_start3A_114] : memref<10000x64xi32, #tpu.memory_space<vmem_shared>> -> memref<10000x64xi32, #tpu.memory_space<vmem_shared>>
        tpu.enqueue_indirect_dma source(%dma_start3A_115 : memref<10000x64xi32, #tpu.memory_space<vmem_shared>>) target(%arg13 : memref<40x64xi32, #tpu.memory_space<vmem>>) offsets(%dma_start3A_112 : memref<40xi32, #tpu.memory_space<vmem>>) semaphore(%arg17 : memref<!tpu.dma_semaphore, #tpu.memory_space<semaphore_mem>>)
      } else {
      }
      %add3A_70 = arith.constant 1 : i32
      %add3A_71 = arith.addi %add3A_40, %add3A_70 : i32
      %mul3A_72 = arith.constant 40 : i32
      %mul3A_73 = arith.muli %add3A_71, %mul3A_72 : i32
      %add3A_74 = arith.addi %mul3A_2, %mul3A_73 : i32
      %dma_wait3A_75 = arith.constant 0 : i32
      %dma_wait3A_76 = tpu.memref_slice %arg7[%dma_wait3A_75] : memref<10000xi32, #tpu.memory_space<vmem>> -> memref<40xi32, #tpu.memory_space<vmem>>
      %dma_wait3A_77 = arith.constant 0 : i32
      %dma_wait3A_78 = arith.constant 0 : i32
      %dma_wait3A_79 = tpu.memref_slice %arg9[%dma_wait3A_77, %dma_wait3A_78] : memref<10000x64xi32, #tpu.memory_space<vmem_shared>> -> memref<10000x64xi32, #tpu.memory_space<vmem_shared>>
      tpu.wait_indirect_dma semaphore(%arg18 : memref<!tpu.dma_semaphore, #tpu.memory_space<semaphore_mem>>) src(%dma_wait3A_79 : memref<10000x64xi32, #tpu.memory_space<vmem_shared>>) dst(%arg12 : memref<40x64xi32, #tpu.memory_space<vmem>>)
      %dma_wait3A_80 = arith.constant 0 : i32
      %dma_wait3A_81 = tpu.memref_slice %arg8[%dma_wait3A_80] : memref<10000xi32, #tpu.memory_space<vmem>> -> memref<40xi32, #tpu.memory_space<vmem>>
      %dma_wait3A_82 = arith.constant 0 : i32
      %dma_wait3A_83 = arith.constant 0 : i32
      %dma_wait3A_84 = tpu.memref_slice %arg10[%dma_wait3A_82, %dma_wait3A_83] : memref<10000x64xi32, #tpu.memory_space<vmem_shared>> -> memref<10000x64xi32, #tpu.memory_space<vmem_shared>>
      tpu.wait_indirect_dma semaphore(%arg18 : memref<!tpu.dma_semaphore, #tpu.memory_space<semaphore_mem>>) src(%dma_wait3A_84 : memref<10000x64xi32, #tpu.memory_space<vmem_shared>>) dst(%arg14 : memref<40x64xi32, #tpu.memory_space<vmem>>)
      %ge3A_85 = arith.constant 2 : i32
      %ge3A_86 = arith.cmpi sge, %add3A_71, %ge3A_85 : i32
      %convert_element_type3A_87 = arith.extui %ge3A_86 : i1 to i32
      %cond3A_88 = arith.constant 0 : i32
      %cond3A_89 = arith.cmpi ne, %convert_element_type3A_87, %cond3A_88 : i32
      scf.if %cond3A_89 {
        %dma_wait3A_104 = arith.constant 0 : i32
        %dma_wait3A_105 = tpu.memref_slice %arg6[%dma_wait3A_104] : memref<40960000xf32, #tpu.memory_space<hbm>> -> memref<5120xf32, #tpu.memory_space<hbm>>
        %dma_wait3A_106 = arith.constant 0 : i32
        %dma_wait3A_107 = tpu.memref_slice %arg6[%dma_wait3A_106] : memref<40960000xf32, #tpu.memory_space<hbm>> -> memref<5120xf32, #tpu.memory_space<hbm>>
        tpu.wait_dma2 semaphore(%arg20 : memref<!tpu.dma_semaphore, #tpu.memory_space<semaphore_mem>>) src(%arg16 : memref<5120xf32, #tpu.memory_space<vmem>>) dst(%dma_wait3A_107 : memref<5120xf32, #tpu.memory_space<hbm>>)
      } else {
      }
      %parallel_loop3A_90 = arith.constant 0 : i32
      %parallel_loop3A_91 = arith.constant 40 : i32
      %parallel_loop3A_92 = arith.constant 1 : i32
      scf.for %parallel_loop3A_104 = %parallel_loop3A_90 to %parallel_loop3A_91 step %parallel_loop3A_92  : i32 {
        %parallel_loop3A_105 = arith.index_cast %parallel_loop3A_104 : i32 to index
        %parallel_loop3A_106 = arith.constant 0 : index
        %parallel_loop3A_107 = tpu.vector_load %arg12[%parallel_loop3A_105, %parallel_loop3A_106] {strides = array<i32>} : memref<40x64xi32, #tpu.memory_space<vmem>>, vector<16xi32>,
        %parallel_loop3A_108 = vector.bitcast %parallel_loop3A_107 : vector<16xi32> to vector<16xi32>
        %parallel_loop3A_109 = arith.index_cast %parallel_loop3A_104 : i32 to index
        %parallel_loop3A_110 = arith.constant 0 : index
        %parallel_loop3A_111 = tpu.vector_load %arg14[%parallel_loop3A_109, %parallel_loop3A_110] {strides = array<i32>} : memref<40x64xi32, #tpu.memory_space<vmem>>, vector<16xi32>,
        %parallel_loop3A_112 = vector.bitcast %parallel_loop3A_111 : vector<16xi32> to vector<16xi32>
        %parallel_loop3A_113 = arith.constant 16 : i32
        %parallel_loop3A_114 = vector.broadcast %parallel_loop3A_113 : i32 to vector<16xi32>
        %parallel_loop3A_115 = arith.shli %parallel_loop3A_108, %parallel_loop3A_114 : vector<16xi32>
        %parallel_loop3A_116 = vector.bitcast %parallel_loop3A_115 : vector<16xi32> to vector<16xf32>
        %parallel_loop3A_117 = arith.constant 16 : i32
        %parallel_loop3A_118 = vector.broadcast %parallel_loop3A_117 : i32 to vector<16xi32>
        %parallel_loop3A_119 = arith.shli %parallel_loop3A_112, %parallel_loop3A_118 : vector<16xi32>
        %parallel_loop3A_120 = vector.bitcast %parallel_loop3A_119 : vector<16xi32> to vector<16xf32>
        %parallel_loop3A_121 = arith.addf %parallel_loop3A_116, %parallel_loop3A_120 : vector<16xf32>
        %parallel_loop3A_122 = vector.broadcast %scan3A : i32 to vector<16xi32>
        %parallel_loop3A_123 = arith.andi %parallel_loop3A_108, %parallel_loop3A_122 : vector<16xi32>
        %parallel_loop3A_124 = vector.bitcast %parallel_loop3A_123 : vector<16xi32> to vector<16xf32>
        %parallel_loop3A_125 = vector.broadcast %scan3A : i32 to vector<16xi32>
        %parallel_loop3A_126 = arith.andi %parallel_loop3A_112, %parallel_loop3A_125 : vector<16xi32>
        %parallel_loop3A_127 = vector.bitcast %parallel_loop3A_126 : vector<16xi32> to vector<16xf32>
        %parallel_loop3A_128 = arith.addf %parallel_loop3A_124, %parallel_loop3A_127 : vector<16xf32>
        %parallel_loop3A_129 = arith.constant 128 : i32
        %parallel_loop3A_130 = arith.muli %parallel_loop3A_104, %parallel_loop3A_129 : i32
        %parallel_loop3A_131 = arith.constant 0 : i32
        %parallel_loop3A_132 = arith.addi %parallel_loop3A_130, %parallel_loop3A_131 : i32
        %parallel_loop3A_133 = arith.index_cast %parallel_loop3A_132 : i32 to index
        %parallel_loop3A_134 = tpu.vector_load %arg16[%parallel_loop3A_133] {strides = array<i32>} : memref<5120xf32, #tpu.memory_space<vmem>>, vector<16xf32>,
        tpu.vector_store %arg16[%parallel_loop3A_133], %parallel_loop3A_121 {strides = array<i32>} : memref<5120xf32, #tpu.memory_space<vmem>>, vector<16xf32>,
        %parallel_loop3A_135 = arith.constant 128 : i32
        %parallel_loop3A_136 = arith.muli %parallel_loop3A_104, %parallel_loop3A_135 : i32
        %parallel_loop3A_137 = arith.constant 64 : i32
        %parallel_loop3A_138 = arith.addi %parallel_loop3A_136, %parallel_loop3A_137 : i32
        %parallel_loop3A_139 = arith.constant 0 : i32
        %parallel_loop3A_140 = arith.addi %parallel_loop3A_138, %parallel_loop3A_139 : i32
        %parallel_loop3A_141 = arith.index_cast %parallel_loop3A_140 : i32 to index
        %parallel_loop3A_142 = tpu.vector_load %arg16[%parallel_loop3A_141] {strides = array<i32>} : memref<5120xf32, #tpu.memory_space<vmem>>, vector<16xf32>,
        tpu.vector_store %arg16[%parallel_loop3A_141], %parallel_loop3A_128 {strides = array<i32>} : memref<5120xf32, #tpu.memory_space<vmem>>, vector<16xf32>,
        %parallel_loop3A_143 = arith.index_cast %parallel_loop3A_104 : i32 to index
        %parallel_loop3A_144 = arith.constant 16 : index
        %parallel_loop3A_145 = tpu.vector_load %arg12[%parallel_loop3A_143, %parallel_loop3A_144] {strides = array<i32>} : memref<40x64xi32, #tpu.memory_space<vmem>>, vector<16xi32>,
        %parallel_loop3A_146 = vector.bitcast %parallel_loop3A_145 : vector<16xi32> to vector<16xi32>
        %parallel_loop3A_147 = arith.index_cast %parallel_loop3A_104 : i32 to index
        %parallel_loop3A_148 = arith.constant 16 : index
        %parallel_loop3A_149 = tpu.vector_load %arg14[%parallel_loop3A_147, %parallel_loop3A_148] {strides = array<i32>} : memref<40x64xi32, #tpu.memory_space<vmem>>, vector<16xi32>,
        %parallel_loop3A_150 = vector.bitcast %parallel_loop3A_149 : vector<16xi32> to vector<16xi32>
        %parallel_loop3A_151 = arith.constant 16 : i32
        %parallel_loop3A_152 = vector.broadcast %parallel_loop3A_151 : i32 to vector<16xi32>
        %parallel_loop3A_153 = arith.shli %parallel_loop3A_146, %parallel_loop3A_152 : vector<16xi32>
        %parallel_loop3A_154 = vector.bitcast %parallel_loop3A_153 : vector<16xi32> to vector<16xf32>
        %parallel_loop3A_155 = arith.constant 16 : i32
        %parallel_loop3A_156 = vector.broadcast %parallel_loop3A_155 : i32 to vector<16xi32>
        %parallel_loop3A_157 = arith.shli %parallel_loop3A_150, %parallel_loop3A_156 : vector<16xi32>
        %parallel_loop3A_158 = vector.bitcast %parallel_loop3A_157 : vector<16xi32> to vector<16xf32>
        %parallel_loop3A_159 = arith.addf %parallel_loop3A_154, %parallel_loop3A_158 : vector<16xf32>
        %parallel_loop3A_160 = vector.broadcast %scan3A : i32 to vector<16xi32>
        %parallel_loop3A_161 = arith.andi %parallel_loop3A_146, %parallel_loop3A_160 : vector<16xi32>
        %parallel_loop3A_162 = vector.bitcast %parallel_loop3A_161 : vector<16xi32> to vector<16xf32>
        %parallel_loop3A_163 = vector.broadcast %scan3A : i32 to vector<16xi32>
        %parallel_loop3A_164 = arith.andi %parallel_loop3A_150, %parallel_loop3A_163 : vector<16xi32>
        %parallel_loop3A_165 = vector.bitcast %parallel_loop3A_164 : vector<16xi32> to vector<16xf32>
        %parallel_loop3A_166 = arith.addf %parallel_loop3A_162, %parallel_loop3A_165 : vector<16xf32>
        %parallel_loop3A_167 = arith.constant 128 : i32
        %parallel_loop3A_168 = arith.muli %parallel_loop3A_104, %parallel_loop3A_167 : i32
        %parallel_loop3A_169 = arith.constant 16 : i32
        %parallel_loop3A_170 = arith.addi %parallel_loop3A_168, %parallel_loop3A_169 : i32
        %parallel_loop3A_171 = arith.index_cast %parallel_loop3A_170 : i32 to index
        %parallel_loop3A_172 = tpu.vector_load %arg16[%parallel_loop3A_171] {strides = array<i32>} : memref<5120xf32, #tpu.memory_space<vmem>>, vector<16xf32>,
        tpu.vector_store %arg16[%parallel_loop3A_171], %parallel_loop3A_159 {strides = array<i32>} : memref<5120xf32, #tpu.memory_space<vmem>>, vector<16xf32>,
        %parallel_loop3A_173 = arith.constant 128 : i32
        %parallel_loop3A_174 = arith.muli %parallel_loop3A_104, %parallel_loop3A_173 : i32
        %parallel_loop3A_175 = arith.constant 64 : i32
        %parallel_loop3A_176 = arith.addi %parallel_loop3A_174, %parallel_loop3A_175 : i32
        %parallel_loop3A_177 = arith.constant 16 : i32
        %parallel_loop3A_178 = arith.addi %parallel_loop3A_176, %parallel_loop3A_177 : i32
        %parallel_loop3A_179 = arith.index_cast %parallel_loop3A_178 : i32 to index
        %parallel_loop3A_180 = tpu.vector_load %arg16[%parallel_loop3A_179] {strides = array<i32>} : memref<5120xf32, #tpu.memory_space<vmem>>, vector<16xf32>,
        tpu.vector_store %arg16[%parallel_loop3A_179], %parallel_loop3A_166 {strides = array<i32>} : memref<5120xf32, #tpu.memory_space<vmem>>, vector<16xf32>,
        %parallel_loop3A_181 = arith.index_cast %parallel_loop3A_104 : i32 to index
        %parallel_loop3A_182 = arith.constant 32 : index
        %parallel_loop3A_183 = tpu.vector_load %arg12[%parallel_loop3A_181, %parallel_loop3A_182] {strides = array<i32>} : memref<40x64xi32, #tpu.memory_space<vmem>>, vector<16xi32>,
        %parallel_loop3A_184 = vector.bitcast %parallel_loop3A_183 : vector<16xi32> to vector<16xi32>
        %parallel_loop3A_185 = arith.index_cast %parallel_loop3A_104 : i32 to index
        %parallel_loop3A_186 = arith.constant 32 : index
        %parallel_loop3A_187 = tpu.vector_load %arg14[%parallel_loop3A_185, %parallel_loop3A_186] {strides = array<i32>} : memref<40x64xi32, #tpu.memory_space<vmem>>, vector<16xi32>,
        %parallel_loop3A_188 = vector.bitcast %parallel_loop3A_187 : vector<16xi32> to vector<16xi32>
        %parallel_loop3A_189 = arith.constant 16 : i32
        %parallel_loop3A_190 = vector.broadcast %parallel_loop3A_189 : i32 to vector<16xi32>
        %parallel_loop3A_191 = arith.shli %parallel_loop3A_184, %parallel_loop3A_190 : vector<16xi32>
        %parallel_loop3A_192 = vector.bitcast %parallel_loop3A_191 : vector<16xi32> to vector<16xf32>
        %parallel_loop3A_193 = arith.constant 16 : i32
        %parallel_loop3A_194 = vector.broadcast %parallel_loop3A_193 : i32 to vector<16xi32>
        %parallel_loop3A_195 = arith.shli %parallel_loop3A_188, %parallel_loop3A_194 : vector<16xi32>
        %parallel_loop3A_196 = vector.bitcast %parallel_loop3A_195 : vector<16xi32> to vector<16xf32>
        %parallel_loop3A_197 = arith.addf %parallel_loop3A_192, %parallel_loop3A_196 : vector<16xf32>
        %parallel_loop3A_198 = vector.broadcast %scan3A : i32 to vector<16xi32>
        %parallel_loop3A_199 = arith.andi %parallel_loop3A_184, %parallel_loop3A_198 : vector<16xi32>
        %parallel_loop3A_200 = vector.bitcast %parallel_loop3A_199 : vector<16xi32> to vector<16xf32>
        %parallel_loop3A_201 = vector.broadcast %scan3A : i32 to vector<16xi32>
        %parallel_loop3A_202 = arith.andi %parallel_loop3A_188, %parallel_loop3A_201 : vector<16xi32>
        %parallel_loop3A_203 = vector.bitcast %parallel_loop3A_202 : vector<16xi32> to vector<16xf32>
        %parallel_loop3A_204 = arith.addf %parallel_loop3A_200, %parallel_loop3A_203 : vector<16xf32>
        %parallel_loop3A_205 = arith.constant 128 : i32
        %parallel_loop3A_206 = arith.muli %parallel_loop3A_104, %parallel_loop3A_205 : i32
        %parallel_loop3A_207 = arith.constant 32 : i32
        %parallel_loop3A_208 = arith.addi %parallel_loop3A_206, %parallel_loop3A_207 : i32
        %parallel_loop3A_209 = arith.index_cast %parallel_loop3A_208 : i32 to index
        %parallel_loop3A_210 = tpu.vector_load %arg16[%parallel_loop3A_209] {strides = array<i32>} : memref<5120xf32, #tpu.memory_space<vmem>>, vector<16xf32>,
        tpu.vector_store %arg16[%parallel_loop3A_209], %parallel_loop3A_197 {strides = array<i32>} : memref<5120xf32, #tpu.memory_space<vmem>>, vector<16xf32>,
        %parallel_loop3A_211 = arith.constant 128 : i32
        %parallel_loop3A_212 = arith.muli %parallel_loop3A_104, %parallel_loop3A_211 : i32
        %parallel_loop3A_213 = arith.constant 64 : i32
        %parallel_loop3A_214 = arith.addi %parallel_loop3A_212, %parallel_loop3A_213 : i32
        %parallel_loop3A_215 = arith.constant 32 : i32
        %parallel_loop3A_216 = arith.addi %parallel_loop3A_214, %parallel_loop3A_215 : i32
        %parallel_loop3A_217 = arith.index_cast %parallel_loop3A_216 : i32 to index
        %parallel_loop3A_218 = tpu.vector_load %arg16[%parallel_loop3A_217] {strides = array<i32>} : memref<5120xf32, #tpu.memory_space<vmem>>, vector<16xf32>,
        tpu.vector_store %arg16[%parallel_loop3A_217], %parallel_loop3A_204 {strides = array<i32>} : memref<5120xf32, #tpu.memory_space<vmem>>, vector<16xf32>,
        %parallel_loop3A_219 = arith.index_cast %parallel_loop3A_104 : i32 to index
        %parallel_loop3A_220 = arith.constant 48 : index
        %parallel_loop3A_221 = tpu.vector_load %arg12[%parallel_loop3A_219, %parallel_loop3A_220] {strides = array<i32>} : memref<40x64xi32, #tpu.memory_space<vmem>>, vector<16xi32>,
        %parallel_loop3A_222 = vector.bitcast %parallel_loop3A_221 : vector<16xi32> to vector<16xi32>
        %parallel_loop3A_223 = arith.index_cast %parallel_loop3A_104 : i32 to index
        %parallel_loop3A_224 = arith.constant 48 : index
        %parallel_loop3A_225 = tpu.vector_load %arg14[%parallel_loop3A_223, %parallel_loop3A_224] {strides = array<i32>} : memref<40x64xi32, #tpu.memory_space<vmem>>, vector<16xi32>,
        %parallel_loop3A_226 = vector.bitcast %parallel_loop3A_225 : vector<16xi32> to vector<16xi32>
        %parallel_loop3A_227 = arith.constant 16 : i32
        %parallel_loop3A_228 = vector.broadcast %parallel_loop3A_227 : i32 to vector<16xi32>
        %parallel_loop3A_229 = arith.shli %parallel_loop3A_222, %parallel_loop3A_228 : vector<16xi32>
        %parallel_loop3A_230 = vector.bitcast %parallel_loop3A_229 : vector<16xi32> to vector<16xf32>
        %parallel_loop3A_231 = arith.constant 16 : i32
        %parallel_loop3A_232 = vector.broadcast %parallel_loop3A_231 : i32 to vector<16xi32>
        %parallel_loop3A_233 = arith.shli %parallel_loop3A_226, %parallel_loop3A_232 : vector<16xi32>
        %parallel_loop3A_234 = vector.bitcast %parallel_loop3A_233 : vector<16xi32> to vector<16xf32>
        %parallel_loop3A_235 = arith.addf %parallel_loop3A_230, %parallel_loop3A_234 : vector<16xf32>
        %parallel_loop3A_236 = vector.broadcast %scan3A : i32 to vector<16xi32>
        %parallel_loop3A_237 = arith.andi %parallel_loop3A_222, %parallel_loop3A_236 : vector<16xi32>
        %parallel_loop3A_238 = vector.bitcast %parallel_loop3A_237 : vector<16xi32> to vector<16xf32>
        %parallel_loop3A_239 = vector.broadcast %scan3A : i32 to vector<16xi32>
        %parallel_loop3A_240 = arith.andi %parallel_loop3A_226, %parallel_loop3A_239 : vector<16xi32>
        %parallel_loop3A_241 = vector.bitcast %parallel_loop3A_240 : vector<16xi32> to vector<16xf32>
        %parallel_loop3A_242 = arith.addf %parallel_loop3A_238, %parallel_loop3A_241 : vector<16xf32>
        %parallel_loop3A_243 = arith.constant 128 : i32
        %parallel_loop3A_244 = arith.muli %parallel_loop3A_104, %parallel_loop3A_243 : i32
        %parallel_loop3A_245 = arith.constant 48 : i32
        %parallel_loop3A_246 = arith.addi %parallel_loop3A_244, %parallel_loop3A_245 : i32
        %parallel_loop3A_247 = arith.index_cast %parallel_loop3A_246 : i32 to index
        %parallel_loop3A_248 = tpu.vector_load %arg16[%parallel_loop3A_247] {strides = array<i32>} : memref<5120xf32, #tpu.memory_space<vmem>>, vector<16xf32>,
        tpu.vector_store %arg16[%parallel_loop3A_247], %parallel_loop3A_235 {strides = array<i32>} : memref<5120xf32, #tpu.memory_space<vmem>>, vector<16xf32>,
        %parallel_loop3A_249 = arith.constant 128 : i32
        %parallel_loop3A_250 = arith.muli %parallel_loop3A_104, %parallel_loop3A_249 : i32
        %parallel_loop3A_251 = arith.constant 64 : i32
        %parallel_loop3A_252 = arith.addi %parallel_loop3A_250, %parallel_loop3A_251 : i32
        %parallel_loop3A_253 = arith.constant 48 : i32
        %parallel_loop3A_254 = arith.addi %parallel_loop3A_252, %parallel_loop3A_253 : i32
        %parallel_loop3A_255 = arith.index_cast %parallel_loop3A_254 : i32 to index
        %parallel_loop3A_256 = tpu.vector_load %arg16[%parallel_loop3A_255] {strides = array<i32>} : memref<5120xf32, #tpu.memory_space<vmem>>, vector<16xf32>,
        tpu.vector_store %arg16[%parallel_loop3A_255], %parallel_loop3A_242 {strides = array<i32>} : memref<5120xf32, #tpu.memory_space<vmem>>, vector<16xf32>,
      } {sc.loop_unroll_factor = 2 : i64, sc.parallel_access}
      %mul3A_93 = arith.constant 128 : i32
      %mul3A_94 = arith.muli %add3A_74, %mul3A_93 : i32
      %dma_start3A_95 = tpu.memref_slice %arg6[%mul3A_94] : memref<40960000xf32, #tpu.memory_space<hbm>> -> memref<5120xf32, #tpu.memory_space<hbm>>
      %dma_start3A_96 = tpu.memref_slice %arg6[%mul3A_94] : memref<40960000xf32, #tpu.memory_space<hbm>> -> memref<5120xf32, #tpu.memory_space<hbm>>
      tpu.enqueue_dma source(%arg16 : memref<5120xf32, #tpu.memory_space<vmem>>) target(%dma_start3A_96 : memref<5120xf32, #tpu.memory_space<hbm>>) target_semaphore(%arg20 : memref<!tpu.dma_semaphore, #tpu.memory_space<semaphore_mem>>)
      %add3A_97 = arith.constant 2 : i32
      %add3A_98 = arith.addi %add3A_71, %add3A_97 : i32
      %lt3A_99 = arith.constant 250 : i32
      %lt3A_100 = arith.cmpi slt, %add3A_98, %lt3A_99 : i32
      %convert_element_type3A_101 = arith.extui %lt3A_100 : i1 to i32
      %cond3A_102 = arith.constant 0 : i32
      %cond3A_103 = arith.cmpi ne, %convert_element_type3A_101, %cond3A_102 : i32
      scf.if %cond3A_103 {
        %add3A_104 = arith.constant 2 : i32
        %add3A_105 = arith.addi %add3A_71, %add3A_104 : i32
        %mul3A_106 = arith.constant 40 : i32
        %mul3A_107 = arith.muli %add3A_105, %mul3A_106 : i32
        %dma_start3A_108 = tpu.memref_slice %arg7[%mul3A_107] : memref<10000xi32, #tpu.memory_space<vmem>> -> memref<40xi32, #tpu.memory_space<vmem>>
        %dma_start3A_109 = arith.constant 0 : i32
        %dma_start3A_110 = arith.constant 0 : i32
        %dma_start3A_111 = tpu.memref_slice %arg9[%dma_start3A_109, %dma_start3A_110] : memref<10000x64xi32, #tpu.memory_space<vmem_shared>> -> memref<10000x64xi32, #tpu.memory_space<vmem_shared>>
        tpu.enqueue_indirect_dma source(%dma_start3A_111 : memref<10000x64xi32, #tpu.memory_space<vmem_shared>>) target(%arg12 : memref<40x64xi32, #tpu.memory_space<vmem>>) offsets(%dma_start3A_108 : memref<40xi32, #tpu.memory_space<vmem>>) semaphore(%arg18 : memref<!tpu.dma_semaphore, #tpu.memory_space<semaphore_mem>>)
        %dma_start3A_112 = tpu.memref_slice %arg8[%mul3A_107] : memref<10000xi32, #tpu.memory_space<vmem>> -> memref<40xi32, #tpu.memory_space<vmem>>
        %dma_start3A_113 = arith.constant 0 : i32
        %dma_start3A_114 = arith.constant 0 : i32
        %dma_start3A_115 = tpu.memref_slice %arg10[%dma_start3A_113, %dma_start3A_114] : memref<10000x64xi32, #tpu.memory_space<vmem_shared>> -> memref<10000x64xi32, #tpu.memory_space<vmem_shared>>
        tpu.enqueue_indirect_dma source(%dma_start3A_115 : memref<10000x64xi32, #tpu.memory_space<vmem_shared>>) target(%arg14 : memref<40x64xi32, #tpu.memory_space<vmem>>) offsets(%dma_start3A_112 : memref<40xi32, #tpu.memory_space<vmem>>) semaphore(%arg18 : memref<!tpu.dma_semaphore, #tpu.memory_space<semaphore_mem>>)
      } else {
      }
    }
    %scan3A_28 = arith.constant 125 : i32
    %dma_wait3A = arith.constant 0 : i32
    %dma_wait3A_29 = tpu.memref_slice %arg6[%dma_wait3A] : memref<40960000xf32, #tpu.memory_space<hbm>> -> memref<5120xf32, #tpu.memory_space<hbm>>
    %dma_wait3A_30 = arith.constant 0 : i32
    %dma_wait3A_31 = tpu.memref_slice %arg6[%dma_wait3A_30] : memref<40960000xf32, #tpu.memory_space<hbm>> -> memref<5120xf32, #tpu.memory_space<hbm>>
    tpu.wait_dma2 semaphore(%arg19 : memref<!tpu.dma_semaphore, #tpu.memory_space<semaphore_mem>>) src(%arg15 : memref<5120xf32, #tpu.memory_space<vmem>>) dst(%dma_wait3A_31 : memref<5120xf32, #tpu.memory_space<hbm>>)
    %dma_wait3A_32 = arith.constant 0 : i32
    %dma_wait3A_33 = tpu.memref_slice %arg6[%dma_wait3A_32] : memref<40960000xf32, #tpu.memory_space<hbm>> -> memref<5120xf32, #tpu.memory_space<hbm>>
    %dma_wait3A_34 = arith.constant 0 : i32
    %dma_wait3A_35 = tpu.memref_slice %arg6[%dma_wait3A_34] : memref<40960000xf32, #tpu.memory_space<hbm>> -> memref<5120xf32, #tpu.memory_space<hbm>>
    tpu.wait_dma2 semaphore(%arg20 : memref<!tpu.dma_semaphore, #tpu.memory_space<semaphore_mem>>) src(%arg16 : memref<5120xf32, #tpu.memory_space<vmem>>) dst(%dma_wait3A_35 : memref<5120xf32, #tpu.memory_space<hbm>>)
    return
  }
}

module attributes {stable_mosaic.version = 14 : i64} {
  func.func @_tables_body(%arg0: memref<10000x128xf32, #tpu.memory_space<vmem>>, %arg1: memref<128x128xf32, #tpu.memory_space<vmem>>, %arg2: memref<128x128xf32, #tpu.memory_space<vmem>>, %arg3: memref<16x128xf32, #tpu.memory_space<vmem>>, %arg4: memref<128x128xf32, #tpu.memory_space<vmem>>, %arg5: memref<10000x64xi32, #tpu.memory_space<vmem>>, %arg6: memref<10000x64xi32, #tpu.memory_space<vmem>>, %arg7: memref<16x128xf32, #tpu.memory_space<vmem>>) attributes {dimension_semantics = [], scalar_prefetch = 0 : i64, scratch_operands = 0 : i64, tpu.core_type = #tpu.core_type<tc>} {
    %get3A = arith.constant 0 : index
    %get3A_0 = arith.constant 0 : index
    %get3A_1 = vector.load %arg0[%get3A, %get3A_0] : memref<10000x128xf32, #tpu.memory_space<vmem>>, vector<10000x128xf32>
    %get3A_2 = arith.constant 0 : index
    %get3A_3 = arith.constant 0 : index
    %get3A_4 = vector.load %arg1[%get3A_2, %get3A_3] : memref<128x128xf32, #tpu.memory_space<vmem>>, vector<128x128xf32>
    %dot_general3A = arith.constant dense<0.000000e+00> : vector<10000x128xf32>
    %dot_general3A_5 = tpu.matmul %get3A_1, %get3A_4, %dot_general3A {dimension_numbers = #tpu.dot_dimension_numbers<[1], [0], [0], [1], [0, 0, 1, 1], [], []>, transpose_lhs_hint = false} : vector<10000x128xf32>, vector<128x128xf32>, vector<10000x128xf32> -> vector<10000x128xf32>
    %convert_element_type3A = arith.truncf %dot_general3A_5 : vector<10000x128xf32> to vector<10000x128xbf16>
    %bitcast_convert_type3A = tpu.bitcast %convert_element_type3A : vector<10000x128xbf16> -> vector<10000x128xi16>
    %slice3A = vector.extract_strided_slice %bitcast_convert_type3A {offsets = [0, 0], sizes = [10000, 64], strides = [1, 1]} : vector<10000x128xi16> to vector<10000x64xi16>
    %convert_element_type3A_6 = arith.extui %slice3A : vector<10000x64xi16> to vector<10000x64xi32>
    %slice3A_7 = vector.extract_strided_slice %bitcast_convert_type3A {offsets = [0, 64], sizes = [10000, 64], strides = [1, 1]} : vector<10000x128xi16> to vector<10000x64xi16>
    %convert_element_type3A_8 = arith.extui %slice3A_7 : vector<10000x64xi16> to vector<10000x64xi32>
    %shift_left3A = arith.constant 16 : i32
    %shift_left3A_9 = vector.broadcast %shift_left3A : i32 to vector<10000x64xi32>
    %shift_left3A_10 = arith.shli %convert_element_type3A_8, %shift_left3A_9 : vector<10000x64xi32>
    %or3A = arith.ori %convert_element_type3A_6, %shift_left3A_10 : vector<10000x64xi32>
    %bitcast_convert_type3A_11 = tpu.bitcast %or3A : vector<10000x64xi32> -> vector<10000x64xi32>
    %swap3A = arith.constant 0 : index
    %swap3A_12 = arith.constant 0 : index
    %swap3A_13 = vector.load %arg5[%swap3A, %swap3A_12] : memref<10000x64xi32, #tpu.memory_space<vmem>>, vector<10000x64xi32>
    tpu.vector_store %arg5[%swap3A, %swap3A_12], %bitcast_convert_type3A_11 {strides = array<i32>} : memref<10000x64xi32, #tpu.memory_space<vmem>>, vector<10000x64xi32>,
    %get3A_14 = arith.constant 0 : index
    %get3A_15 = arith.constant 0 : index
    %get3A_16 = vector.load %arg2[%get3A_14, %get3A_15] : memref<128x128xf32, #tpu.memory_space<vmem>>, vector<128x128xf32>
    %dot_general3A_17 = arith.constant dense<0.000000e+00> : vector<10000x128xf32>
    %dot_general3A_18 = tpu.matmul %get3A_1, %get3A_16, %dot_general3A_17 {dimension_numbers = #tpu.dot_dimension_numbers<[1], [0], [0], [1], [0, 0, 1, 1], [], []>, transpose_lhs_hint = false} : vector<10000x128xf32>, vector<128x128xf32>, vector<10000x128xf32> -> vector<10000x128xf32>
    %convert_element_type3A_19 = arith.truncf %dot_general3A_18 : vector<10000x128xf32> to vector<10000x128xbf16>
    %bitcast_convert_type3A_20 = tpu.bitcast %convert_element_type3A_19 : vector<10000x128xbf16> -> vector<10000x128xi16>
    %slice3A_21 = vector.extract_strided_slice %bitcast_convert_type3A_20 {offsets = [0, 0], sizes = [10000, 64], strides = [1, 1]} : vector<10000x128xi16> to vector<10000x64xi16>
    %convert_element_type3A_22 = arith.extui %slice3A_21 : vector<10000x64xi16> to vector<10000x64xi32>
    %slice3A_23 = vector.extract_strided_slice %bitcast_convert_type3A_20 {offsets = [0, 64], sizes = [10000, 64], strides = [1, 1]} : vector<10000x128xi16> to vector<10000x64xi16>
    %convert_element_type3A_24 = arith.extui %slice3A_23 : vector<10000x64xi16> to vector<10000x64xi32>
    %shift_left3A_25 = arith.constant 16 : i32
    %shift_left3A_26 = vector.broadcast %shift_left3A_25 : i32 to vector<10000x64xi32>
    %shift_left3A_27 = arith.shli %convert_element_type3A_24, %shift_left3A_26 : vector<10000x64xi32>
    %or3A_28 = arith.ori %convert_element_type3A_22, %shift_left3A_27 : vector<10000x64xi32>
    %bitcast_convert_type3A_29 = tpu.bitcast %or3A_28 : vector<10000x64xi32> -> vector<10000x64xi32>
    %swap3A_30 = arith.constant 0 : index
    %swap3A_31 = arith.constant 0 : index
    %swap3A_32 = vector.load %arg6[%swap3A_30, %swap3A_31] : memref<10000x64xi32, #tpu.memory_space<vmem>>, vector<10000x64xi32>
    tpu.vector_store %arg6[%swap3A_30, %swap3A_31], %bitcast_convert_type3A_29 {strides = array<i32>} : memref<10000x64xi32, #tpu.memory_space<vmem>>, vector<10000x64xi32>,
    %get3A_33 = arith.constant 0 : index
    %get3A_34 = arith.constant 0 : index
    %get3A_35 = vector.load %arg3[%get3A_33, %get3A_34] : memref<16x128xf32, #tpu.memory_space<vmem>>, vector<16x128xf32>
    %get3A_36 = arith.constant 0 : index
    %get3A_37 = arith.constant 0 : index
    %get3A_38 = vector.load %arg4[%get3A_36, %get3A_37] : memref<128x128xf32, #tpu.memory_space<vmem>>, vector<128x128xf32>
    %dot_general3A_39 = arith.constant dense<0.000000e+00> : vector<16x128xf32>
    %dot_general3A_40 = tpu.matmul %get3A_35, %get3A_38, %dot_general3A_39 {dimension_numbers = #tpu.dot_dimension_numbers<[1], [0], [0], [1], [0, 0, 1, 1], [], []>, transpose_lhs_hint = false} : vector<16x128xf32>, vector<128x128xf32>, vector<16x128xf32> -> vector<16x128xf32>
    %swap3A_41 = arith.constant 0 : index
    %swap3A_42 = arith.constant 0 : index
    %swap3A_43 = vector.load %arg7[%swap3A_41, %swap3A_42] : memref<16x128xf32, #tpu.memory_space<vmem>>, vector<16x128xf32>
    tpu.vector_store %arg7[%swap3A_41, %swap3A_42], %dot_general3A_40 {strides = array<i32>} : memref<16x128xf32, #tpu.memory_space<vmem>>, vector<16x128xf32>,
    return
  }
}

module attributes {stable_mosaic.version = 14 : i64} {
  func.func @_combine_body(%arg0: i32, %arg1: memref<1024000xf32, #tpu.memory_space<vmem>>, %arg2: memref<8000x16xf32, #tpu.memory_space<vmem>>, %arg3: memref<16x128xf32, #tpu.memory_space<vmem>>, %arg4: memref<1x128xf32, #tpu.memory_space<vmem>>, %arg5: memref<8000x128xf32, #tpu.memory_space<vmem>>) attributes {dimension_semantics = [#tpu.dimension_semantics<arbitrary>], iteration_bounds = array<i64: 40>, scalar_prefetch = 0 : i64, scratch_operands = 0 : i64, tpu.core_type = #tpu.core_type<tc>, window_params = [{transform_indices = @transform_0, window_bounds = array<i64: 1024000>}, {transform_indices = @transform_1, window_bounds = array<i64: 8000, 16>}, {pipeline_mode = #tpu.pipeline_mode<synchronous>, transform_indices = @transform_2, window_bounds = array<i64: 16, 128>}, {pipeline_mode = #tpu.pipeline_mode<synchronous>, transform_indices = @transform_3, window_bounds = array<i64: 1, 128>}, {transform_indices = @transform_4, window_bounds = array<i64: 8000, 128>}]} {
    %get3A = arith.constant 0 : index
    %get3A_0 = vector.load %arg1[%get3A] : memref<1024000xf32, #tpu.memory_space<vmem>>, vector<1024000xf32>
    %reshape3A = vector.shape_cast %get3A_0 : vector<1024000xf32> to vector<8000x128xf32>
    %get3A_1 = arith.constant 0 : index
    %get3A_2 = arith.constant 0 : index
    %get3A_3 = vector.load %arg2[%get3A_1, %get3A_2] : memref<8000x16xf32, #tpu.memory_space<vmem>>, vector<8000x16xf32>
    %get3A_4 = arith.constant 0 : index
    %get3A_5 = arith.constant 0 : index
    %get3A_6 = vector.load %arg3[%get3A_4, %get3A_5] : memref<16x128xf32, #tpu.memory_space<vmem>>, vector<16x128xf32>
    %dot_general3A = arith.constant dense<0.000000e+00> : vector<8000x128xf32>
    %dot_general3A_7 = tpu.matmul %get3A_3, %get3A_6, %dot_general3A {dimension_numbers = #tpu.dot_dimension_numbers<[1], [0], [0], [1], [0, 0, 1, 1], [], []>, transpose_lhs_hint = false} : vector<8000x16xf32>, vector<16x128xf32>, vector<8000x128xf32> -> vector<8000x128xf32>
    %add3A = arith.addf %reshape3A, %dot_general3A_7 : vector<8000x128xf32>
    %get3A_8 = arith.constant 0 : index
    %get3A_9 = arith.constant 0 : index
    %get3A_10 = vector.load %arg4[%get3A_8, %get3A_9] : memref<1x128xf32, #tpu.memory_space<vmem>>, vector<1x128xf32>
    %add3A_11 = vector.broadcast %get3A_10 : vector<1x128xf32> to vector<8000x128xf32>
    %add3A_12 = arith.addf %add3A, %add3A_11 : vector<8000x128xf32>
    %logistic3A = arith.negf %add3A_12 : vector<8000x128xf32>
    %logistic3A_13 = math.exp %logistic3A : vector<8000x128xf32>
    %logistic3A_14 = arith.constant 1.000000e+00 : f32
    %logistic3A_15 = vector.broadcast %logistic3A_14 : f32 to vector<8000x128xf32>
    %logistic3A_16 = arith.addf %logistic3A_15, %logistic3A_13 : vector<8000x128xf32>
    %logistic3A_17 = arith.divf %logistic3A_15, %logistic3A_16 : vector<8000x128xf32>
    %mul3A = arith.mulf %add3A_12, %logistic3A_17 : vector<8000x128xf32>
    %swap3A = arith.constant 0 : index
    %swap3A_18 = arith.constant 0 : index
    %swap3A_19 = vector.load %arg5[%swap3A, %swap3A_18] : memref<8000x128xf32, #tpu.memory_space<vmem>>, vector<8000x128xf32>
    tpu.vector_store %arg5[%swap3A, %swap3A_18], %mul3A {strides = array<i32>} : memref<8000x128xf32, #tpu.memory_space<vmem>>, vector<8000x128xf32>,
    return
  }
  func.func @transform_0(%arg0: i32) -> i32 {
    %c0_i32 = arith.constant 0 : i32
    return %arg0 : i32
  }
  func.func @transform_1(%arg0: i32) -> (i32, i32) {
    %add3A = arith.constant 0 : i32
    %add3A_0 = arith.addi %arg0, %add3A : i32
    %c0_i32 = arith.constant 0 : i32
    %c0_i32_1 = arith.constant 0 : i32
    return %add3A_0, %c0_i32 : i32, i32
  }
  func.func @transform_2(%arg0: i32) -> (i32, i32) {
    %c0_i32 = arith.constant 0 : i32
    %c0_i32_0 = arith.constant 0 : i32
    %c0_i32_1 = arith.constant 0 : i32
    return %c0_i32, %c0_i32_0 : i32, i32
  }
  func.func @transform_3(%arg0: i32) -> (i32, i32) {
    %c0_i32 = arith.constant 0 : i32
    %c0_i32_0 = arith.constant 0 : i32
    %c0_i32_1 = arith.constant 0 : i32
    return %c0_i32, %c0_i32_0 : i32, i32
  }
  func.func @transform_4(%arg0: i32) -> (i32, i32) {
    %add3A = arith.constant 0 : i32
    %add3A_0 = arith.addi %arg0, %add3A : i32
    %c0_i32 = arith.constant 0 : i32
    %c0_i32_1 = arith.constant 0 : i32
    return %add3A_0, %c0_i32 : i32, i32
  }
}

</mosaic_0001>

<sc_bundles>
// kernel: kernel.5.cloned.1.call-start
scs
__scs_entry_jumppad:
0x0: {  	(pc) =	sbr.rel $0x88, $3  }
0x1: {  	(tag) =	ssettag $0x0;
	lr =	simm.s32 $0x1  }
0x2: {  	[smem:$0x3F9A] =	sst lr;
	_ =	strace $0xD0000000  }
0x3: {  	_ = 	snop  }
0x4: {  	_ = 	snop  }
0x5: {  	_ = 	snop  }
0x6: {  	_ = 	snop  }
0x7: {  	_ = 	snop  }
__scs_overlays_trampoline_lowered:
0x8: {  	[smem:$0x3FA9] =	sst s0  }
0x9: {  	[smem:$0x3FAA] =	sst s1  }
0xa: {  	[smem:$0x3FAB] =	sst s2  }
0xb: {  	[smem:$0x3FAC] =	sst s3  }
0xc: {  	[smem:$0x3FAD] =	sst s4  }
0xd: {  	[smem:$0x3FAE] =	sst s5  }
0xe: {  	[smem:$0x3FAF] =	sst s6  }
0xf: {  	[smem:$0x3FB0] =	sst s7  }
0x10: {  	[smem:$0x3FB1] =	sst s8  }
0x11: {  	[smem:$0x3FB2] =	sst s9;
	s0 =	simm.s32 @!p0 $0x0  }
0x12: {  	s1 =	sld [smem:$0x3F98];
	s0 =	simm.s32 @p0 $0x1  }
0x13: {  	[smem:$0x3FB3] =	sst s0;
	s0 =	simm.s32 @!p1 $0x0  }
0x14: {  	s2 =	sld [smem:$0x3F97];
	s0 =	simm.s32 @p1 $0x1  }
0x15: {  	[smem:$0x3FB4] =	sst s0;
	s0 =	simm.s32 @!p2 $0x0  }
0x16: {  	s3 =	sld [smem:$0x3FDB];
	s0 =	simm.s32 @p2 $0x1  }
0x17: {  	s4 =	simm.s32 $0x1BF5;
	[smem:$0x3FB6] =	sst s0  }
0x18: {  	s0 =	sld [smem:$0x3F99];
	_ =	swait.ge [sflag:s4], $0x0  }
0x19: {  	s7 =	sld [smem:$0x3F9A]  }
0x1a: {  	s8 =	sadd.s32 $0xFFFFE003, lr  }
0x1b: {  	s9 =	sadd.s32 $0xFFFFFEF7, lr;
	s5 =	simm.s32 $0xFFFFFFFF;
	p2 =	slt.u32 s8, $0xFFFFF086  }
0x1c: {  	p1 =	slt.u32 s9, $0xF7A;
	s5 =	simm.s32 @!p2 $0x0  }
0x1d: {  	s5 =	simm.s32 @p1 $0x1;
	p0 =	seq.s32 s7, s2  }
0x1e: {  	s7 =	smul.u32 @!p0 $0xF7A, s2;
	p2 =	seq.s32 @!p0 s5, $0x0  }
0x1f: {  	s9 =	smul.u32 $0xF7A, s1;
	s8 =	simm.s32 @!p0 $0x1BF5;
	p2 =	por !p2, p0  }
0x20: {  	[sflag:s8] =	ssyncset.s32 @!p0 $0xFFFFF086;
	s6 =	sadd.s32 @!p0 s3, s7;
	s7 =	simm.s32 @!p0 $0x108  }
0x21: {  	s3 =	sadd.s32 s3, s9;
	s6 =	sadd.s32 @!p0 $0x88, s6;
	s7 =	simm.s32 @p2 $0x1082  }
0x22: {  	[simem:s7], [sflag:s8] =	dma.local @!p0 [hbm:s6], $0xF7A  }
0x23: {  	s9 =	sor.u32 $0xD0000000, s2;
	s6 =	simm.s32 $0x108;
	_ =	swait.ge @!p0 [sflag:s8], $0x0  }
0x24: {  	s3 =	sadd.s32 $0x88, s3;
	s6 =	simm.s32 @!p1 $0x1082;
	[sflag:s4] =	ssyncset.s32 $0xFFFFF086  }
0x25: {  	[simem:s6], [sflag:s4] =	dma.local [hbm:s3], $0xF7A  }
0x26: {  	[smem:$0x3F9A] =	sst s1;
	(tag) =	ssettag s2;
	_ =	strace s9  }
0x27: {  	s1 =	sld [smem:$0x3FAA]  }
0x28: {  	s2 =	sld [smem:$0x3FAB]  }
0x29: {  	s4 =	sld [smem:$0x3FAD]  }
0x2a: {  	p0 =	seq.s32 s5, $0x0;
	s5 =	sld [smem:$0x3FAE]  }
0x2b: {  	s6 =	sld [smem:$0x3FAF]  }
0x2c: {  	s7 =	sld [smem:$0x3FB0]  }
0x2d: {  	s3 =	simm.s32 $0x108;
	s8 =	sld [smem:$0x3FB1]  }
0x2e: {  	s3 =	simm.s32 @!p0 $0x1082;
	s9 =	sld [smem:$0x3FB2]  }
0x2f: {  	lr =	sadd.s32 s0, s3;
	s0 =	sld [smem:$0x3FA9]  }
0x30: {  	s3 =	sld [smem:$0x3FAC]  }
0x31: {  	[smem:$0x3FB5] =	sst s10  }
0x32: {  	s10 =	sld [smem:$0x3FB3];
	_ =	sdelay $0x3  }
0x33: {  	p0 =	seq.s32 s10, $0x1;
	s10 =	sld [smem:$0x3FB5];
	_ =	sdelay $0x3  }
0x34: {  	[smem:$0x3FB5] =	sst s10  }
0x35: {  	s10 =	sld [smem:$0x3FB4];
	_ =	sdelay $0x3  }
0x36: {  	p1 =	seq.s32 s10, $0x1;
	s10 =	sld [smem:$0x3FB5];
	_ =	sdelay $0x3  }
0x37: {  	[smem:$0x3FB5] =	sst s10  }
0x38: {  	s10 =	sld [smem:$0x3FB6]  }
0x39: {  	_ = 	snop;
	(pc) =	sbr.ind lr, $3  }
0x3a: {  	_ = 	snop  }
0x3b: {  	_ = 	snop  }
0x3c: {  	p2 =	seq.s32 s10, $0x1;
	s10 =	sld [smem:$0x3FB5]  }
0x3d: {  	_ =	shalt  }
0x3e: {  	_ =	shalt  }
0x3f: {  	_ =	shalt  }
0x40: {  	_ =	shalt  }
0x41: {  	_ =	shalt  }
0x42: {  	_ =	shalt  }
0x43: {  	_ =	shalt  }
0x44: {  	_ =	shalt  }
0x45: {  	_ =	shalt  }
0x46: {  	_ =	shalt  }
0x47: {  	_ =	shalt  }
0x48: {  	_ =	shalt  }
0x49: {  	_ =	shalt  }
0x4a: {  	_ =	shalt  }
0x4b: {  	_ =	shalt  }
0x4c: {  	_ =	shalt  }
0x4d: {  	_ =	shalt  }
0x4e: {  	_ =	shalt  }
0x4f: {  	_ =	shalt  }
0x50: {  	_ =	shalt  }
0x51: {  	_ =	shalt  }
0x52: {  	_ =	shalt  }
0x53: {  	_ =	shalt  }
0x54: {  	_ =	shalt  }
0x55: {  	_ =	shalt  }
0x56: {  	_ =	shalt  }
0x57: {  	_ =	shalt  }
0x58: {  	_ =	shalt  }
0x59: {  	_ =	shalt  }
0x5a: {  	_ =	shalt  }
0x5b: {  	_ =	shalt  }
0x5c: {  	_ =	shalt  }
0x5d: {  	_ =	shalt  }
0x5e: {  	_ =	shalt  }
0x5f: {  	_ =	shalt  }
0x60: {  	_ =	shalt  }
0x61: {  	_ =	shalt  }
0x62: {  	_ =	shalt  }
0x63: {  	_ =	shalt  }
0x64: {  	_ =	shalt  }
0x65: {  	_ =	shalt  }
0x66: {  	_ =	shalt  }
0x67: {  	_ =	shalt  }
0x68: {  	_ =	shalt  }
0x69: {  	_ =	shalt  }
0x6a: {  	_ =	shalt  }
0x6b: {  	_ =	shalt  }
0x6c: {  	_ =	shalt  }
0x6d: {  	_ =	shalt  }
0x6e: {  	_ =	shalt  }
0x6f: {  	_ =	shalt  }
0x70: {  	_ =	shalt  }
0x71: {  	_ =	shalt  }
0x72: {  	_ =	shalt  }
0x73: {  	_ =	shalt  }
0x74: {  	_ =	shalt  }
0x75: {  	_ =	shalt  }
0x76: {  	_ =	shalt  }
0x77: {  	_ =	shalt  }
0x78: {  	_ =	shalt  }
0x79: {  	_ =	shalt  }
0x7a: {  	_ =	shalt  }
0x7b: {  	_ =	shalt  }
0x7c: {  	_ =	shalt  }
0x7d: {  	_ =	shalt  }
0x7e: {  	_ =	shalt  }
0x7f: {  	_ =	shalt  }
0x80: {  	_ =	shalt  }
0x81: {  	_ =	shalt  }
0x82: {  	_ =	shalt  }
0x83: {  	_ =	shalt  }
0x84: {  	_ =	shalt  }
0x85: {  	_ =	shalt  }
0x86: {  	_ =	shalt  }
0x87: {  	_ =	shalt  }
.Lfunc_end0:
.L_simem_size_0:
called_computation_lowered:
.L_overlay_start_0:
0x88: {  	s2 =	sld [smem:$0x3FD9]  }
0x89: {  	s3 =	sld [smem:$0x3FFE];
	_ =	sdelay $0x1  }
0x8a: {  	s1 =	srdreg.scid  }
0x8b: {  	s0 =	sand.u32 $0x1, s1  }
0x8c: {  	s17 =	sshll.u32 s0, $0xA;
	s2 =	sadd.s32 s3, s2  }
0x8d: {  	s2 =	sadd.s32 s2, s17  }
0x8e: {  	[smem:$0x3FC1] =	sst s2  }
0x8f: {  	_ = 	snop  }
0x90: {  	s2 =	sld [smem:$0x3FC7]  }
0x91: {  	s18 =	sld [smem:$0x3FC6]  }
0x92: {  	s4 =	sld [smem:$0x3FD0];
	(tm) =	ssettm $0x1  }
0x93: {  	s5 =	sld [smem:$0x3FFB];
	_ =	sdelay $0x3  }
0x94: {  	_ =	strace s5  }
0x95: {  	s5 =	sld [smem:$0x3FFC];
	_ =	sdelay $0x3  }
0x96: {  	_ =	strace s5  }
0x97: {  	s5 =	sld [smem:$0x3FFD];
	_ =	sdelay $0x3  }
0x98: {  	_ =	strace s5  }
0x99: {  	_ =	strace $0x8FFFFFFF  }
0x9a: {  	s19 =	sld [smem:$0x3FDB];
	_ =	sdelay $0x1  }
0x9b: {  	s6 =	simm.s32 $_scs_section_size  }
0x9c: {  	s7 =	simm.s32 $_size__tile_overlayer_lowered;
	s8 =	simm.s32 $_tile_overlayer_lowered  }
0x9d: {  	s22 =	simm.s32 $0x1BFF;
	s21 =	sshll.u32 s8, $0x1;
	s5 =	sadd.s32 s6, s19  }
0x9e: {  	s9 =	simm.s32 $0x0;
	s20 =	sshll.u32 s7, $0x1;
	s7 =	sadd.s32 s21, s5  }
0x9f: {  	[timem:s9], [sflag:s22] =	dma.local [hbm:s7], s20  }
0xa0: {  	_ =	swait.ge [sflag:s22], s20  }
0xa1: {  	s6 =	ssub.s32 $0x0, s20;
	[sflag:s22] =	ssyncset.done $0x0  }
0xa2: {  	[sflag:s22] =	ssyncadd.s32 s6;
	_ =	sdelay $0x1  }
0xa3: {  	s23 =	simm.s32 $0x1B8B  }
0xa4: {  	_ =	swait.ge [sflag:s23], $0x1  }
0xa5: {  	[sflag:s23] =	ssyncset.done $0x0  }
0xa6: {  	s25 =	simm.s32 $0x1B8E;
	s24 =	sld [smem:$0x3FFE];
	[sflag:s23] =	ssyncadd.s32 $0xFFFFFFFF  }
0xa7: {  	s26 =	simm.s32 $execute0_lowered;
	[smem:$0x3FD2] =	sst s25  }
0xa8: {  	s7 =	sshll.u32 s26, $0x1;
	_ =	strace $0x80000046;
	[dreg:$0x1] =	wrdreg $0xFFFFFFFF  }
0xa9: {  	s28 =	simm.s32 $_size_execute0_lowered;
	s5 =	sadd.s32 s5, s7;
	[dreg:$0x0] =	wrdreg $0x0  }
0xaa: {  	s7 =	sshll.u32 s28, $0x1;
	[dreg:$0x2] =	wrdreg s5  }
0xab: {  	[dreg:$0x3] =	wrdreg s7  }
0xac: {  	[dreg:$0x4] =	wrdreg $0xC0  }
0xad: {  	_ =	task [dreg:s9], $0x5FFFF  }
0xae: {  	[dreg:$0x1] =	wrdreg $0xFFFFFFFF  }
0xaf: {  	[dreg:$0x0] =	wrdreg $0x60  }
0xb0: {  	[dreg:$0x2] =	wrdreg s4  }
0xb1: {  	[dreg:$0x3] =	wrdreg s24  }
0xb2: {  	[dreg:$0x4] =	wrdreg s18  }
0xb3: {  	[dreg:$0x5] =	wrdreg s2  }
0xb4: {  	[dreg:$0x6] =	wrdreg $0x4E200  }
0xb5: {  	[dreg:$0x7] =	wrdreg $0xEA600  }
0xb6: {  	[dreg:$0x8] =	wrdreg $0x9  }
0xb7: {  	_ =	task.clear_ibuf [dreg:s9], $0x9FFFF;
	_ =	strace $0x90000046  }
0xb8: {  	s29 =	simm.s32 $0x9;
	_ =	strace $0x80000048  }
0xb9: {  	_ =	swait.ge [sflag:s29], $0x1  }
0xba: {  	[sflag:s29] =	ssyncadd.s32 $0xFFFFFFFF  }
0xbb: {  	_ =	strace $0x90000048  }
0xbc: {  	_ =	sfence  }
0xbd: {  	s30 =	sld [smem:$0x0];
	_ =	sdelay $0x2  }
0xbe: {  	s31 =	sshll.u32 s1, $0xD;
	s1 =	sshrl.u32 s1, $0x2  }
0xbf: {  	s3 =	sand.u32 $0x4000, s31;
	s1 =	sadd.s32 s1, s30  }
0xc0: {  	s0 =	sor.u32 s3, s0;
	s1 =	sshll.u32 s1, $0x11  }
0xc1: {  	s0 =	sor.u32 s1, s0  }
0xc2: {  	s0 =	sadd.s32 $0x8F2B, s0  }
0xc3: {  	[sflag:s0] =	ssyncadd.remote.s32 $0x1  }
0xc4: {  	_ =	sfence.sel $0xFFFF  }
0xc5: {  	[dreg:$0x0] =	wrdreg $0xFFFFFFFF;
	(pc) =	sbr.abs _section_cstart, $3  }
0xc6: {  	[dreg:$0x1] =	wrdreg $0xFFFFFFFF  }
0xc7: {  	_ =	task.clear_ibuf [dreg:s9], $0x2FFFF;
	_ =	strace $0x9FFFFFFF  }
0xc8: {  	(tm) =	ssettm $0x7FFFFFFF  }
0xc9: {  	_ =	shalt  }
tec
execute0_lowered:
.L_overlay_start_1:
0x0: {  	(tag) =	ssettag $0x1  }
0x1: {  	s0 =	rddreg [dreg:$0x0]  }
0x2: {  	s1 =	rddreg [dreg:$0x1]  }
0x3: {  	s7 =	rddreg [dreg:$0x2]  }
0x4: {  	s8 =	rddreg [dreg:$0x3]  }
0x5: {  	s2 =	rddreg [dreg:$0x4]  }
0x6: {  	s3 =	rddreg [dreg:$0x5];
	s14 =	stileid.u32  }
0x7: {  	s4 =	simm.s32 $0x0;
	s5 =	srdreg.scid;
	s18 =	simm.s32 $0x28  }
0x8: {  	s28 =	simm.s32 $0x1C2A0;
	s31 =	simm.s32 $0x0;
	s9 =	smul.u32 $0x9C40, s14  }
0x9: {  	[smem:$0x7FF] =	sst s4;
	s6 =	sand.u32 $0x1, s5;
	s13 =	sshll.u32 s14, $0x1  }
0xa: {  	s5 =	sadd.s32 $0x14E00, s1;
	s21 =	sshll.u32 s14, $0x6;
	_ =	strace $0x80000047  }
0xb: {  	s12 =	ssub.s32 $0x2, s6;
	s6 =	sor.u32 s6, s13;
	s23 =	sor.u32 $0x1C05, s21  }
0xc: {  	s21 =	simm.s32 $0x190A0;
	s10 =	sshrl.u32 s9, $0x3;
	s20 =	sshrl.u32 s12, $0x1  }
0xd: {  	s6 =	smul.u32 $0x2710, s6;
	s22 =	sadd.s32 s9, s2;
	[dreg:$0x8] =	wrdreg s23  }
0xe: {  	s24 =	sadd.s32 s9, s3;
	s23 =	simm.s32 $0x1A4A0;
	s0 =	sadd.s32 s0, s10  }
0xf: {  	s11 =	sadd.s32 s10, s1;
	s30 =	sshrl.u32 s22, $0x3;
	[dreg:$0x7] =	wrdreg s0  }
0x10: {  	s1 =	ssub.s32 s12, s20;
	s25 =	sadd.s32 $0x1400, s11;
	[dreg:$0xd] =	wrdreg s30  }
.Ltmp0:
0x11: {  	s1 =	smax.u32 s1, $0x1;
	[dreg:$0x9] =	wrdreg s25;
	(pc) =	sbr.rel .LBB2_1-.Ltmp0, $4  }
0x12: {  	s26 =	sshrl.u32 s6, $0x3;
	s0 =	sshrl.u32 s24, $0x3;
	[dreg:$0xc] =	wrdreg s1  }
0x13: {  	s12 =	sadd.s32 $0x28, s6;
	s7 =	sadd.s32 s7, s26;
	[dreg:$0xe] =	wrdreg s0  }
0x14: {  	s24 =	simm.s32 $0x1;
	s29 =	sadd.s32 s8, s26;
	[dreg:$0xa] =	wrdreg s7  }
0x15: {  	s25 =	simm.s32 $0x1AEA0;
	s26 =	simm.s32 $0x2;
	[dreg:$0xb] =	wrdreg s29  }
.LBB2_8:
0x16: {  	s0 =	simm.s32 $0x3  }
0x17: {  	_ =	swait.ge [sflag:s0], $0x1400  }
0x18: {  	[sflag:s0] =	ssyncset.done $0x0  }
0x19: {  	s1 =	simm.s32 $0x4;
	[sflag:s0] =	ssyncadd.s32 $0xFFFFEC00  }
0x1a: {  	_ =	swait.ge [sflag:s1], $0x1400  }
0x1b: {  	s31 =	sadd.s32 $0x1, s31;
	s30 =	rddreg [dreg:$0xc]  }
0x1c: {  	p0 =	sne.s32 s31, s30  }
.Ltmp1:
0x1d: {  	_ = 	snop;
	(pc) =	sbr.rel @!p0 .LBB2_9-.Ltmp1, $3  }
0x1e: {  	_ =	sdelay $0x1  }
0x1f: {  	[sflag:s1] =	ssyncset.done $0x0  }
0x20: {  	[sflag:s1] =	ssyncadd.s32 $0xFFFFEC00  }
.LBB2_1:
0x21: {  	s0 =	rddreg [dreg:$0x7]  }
0x22: {  	s1 =	rddreg [dreg:$0x8]  }
0x23: {  	s7 =	rddreg [dreg:$0xd];
	s15 =	simm.s32 $0x5  }
0x24: {  	[spmem:s7], [sflag:s1] =	dma.local [hbm:s0], $0x1388  }
0x25: {  	_ =	swait.ge [sflag:s15], $0x1388  }
0x26: {  	[sflag:s15] =	ssyncset.done $0x0;
	s16 =	rddreg [dreg:$0x9]  }
0x27: {  	s8 =	rddreg [dreg:$0xe];
	[sflag:s15] =	ssyncadd.s32 $0xFFFFEC78  }
0x28: {  	[spmem:s8], [sflag:s1] =	dma.local [hbm:s16], $0x1388  }
0x29: {  	_ =	swait.ge [sflag:s15], $0x1388  }
0x2a: {  	[sflag:s15] =	ssyncset.done $0x0  }
0x2b: {  	[sflag:s15] =	ssyncadd.s32 $0xFFFFEC78  }
0x2c: {  	[bflag:$0x0] =	sbarrier.arrive $0xFFFF  }
0x2d: {  	s17 =	rddreg [dreg:$0xa]  }
0x2e: {  	[tilespmem:s4], [sflag:$0x5] =	stream.linear.gather [hbm4b:s17+s4], $0x2710, $0x38;
	[tilespmem:$0x1D6A0] =	vst v63  }
0x2f: {  	_ =	swait.ge [sflag:s15], $0x2710  }
0x30: {  	[sflag:s15] =	ssyncset.done $0x0  }
0x31: {  	s20 =	simm.s32 $0x2710;
	s19 =	rddreg [dreg:$0xb];
	[sflag:s15] =	ssyncadd.s32 $0xFFFFD8F0  }
0x32: {  	[tilespmem:s20], [sflag:$0x5] =	stream.linear.gather [hbm4b:s19+s4], $0x2710, $0x38;
	[tilespmem:$0x1D6A0] =	vst v63  }
0x33: {  	_ =	swait.ge [sflag:s15], $0x2710  }
0x34: {  	[sflag:s15] =	ssyncset.done $0x0  }
0x35: {  	s22 =	simm.s32 $0x186A0;
	[sflag:s15] =	ssyncadd.s32 $0xFFFFD8F0  }
0x36: {  	[tilespmem:s22], [sflag:$0x1] =	stream.indirect.gather [spmem:s2], $0x40, s4, s18, $0xb8;
	[tilespmem:$0x1D6A0] =	vst v63  }
0x37: {  	s29 =	simm.s32 $0x19AA0  }
0x38: {  	[tilespmem:s29], [sflag:$0x1] =	stream.indirect.gather [spmem:s3], $0x40, s20, s18, $0xb8;
	[tilespmem:$0x1D6A0] =	vst v63  }
0x39: {  	_ = 	snop  }
0x3a: {  	[tilespmem:s21], [sflag:$0x2] =	stream.indirect.gather [spmem:s2], $0x40, s18, s18, $0xb8;
	[tilespmem:$0x1D6A0] =	vst v63  }
0x3b: {  	s30 =	simm.s32 $0x2738;
	s0 =	simm.s32 $0x0  }
0x3c: {  	[tilespmem:s23], [sflag:$0x2] =	stream.indirect.gather [spmem:s3], $0x40, s30, s18, $0xb8;
	[tilespmem:$0x1D6A0] =	vst v63  }
.LBB2_2:
0x3d: {  	_ =	swait.ge [sflag:s24], $0xA00  }
0x3e: {  	[sflag:s24] =	ssyncset.done $0x0  }
0x3f: {  	[sflag:s24] =	ssyncadd.s32 $0xFFFFF600  }
0x40: {  	_ =	swait.ge [sflag:s24], $0xA00  }
0x41: {  	p0 =	seq.s32 s0, $0x0;
	[sflag:s24] =	ssyncset.done $0x0  }
0x42: {  	s1 =	simm.s32 @!p0 $0x3;
	[sflag:s24] =	ssyncadd.s32 $0xFFFFF600  }
0x43: {  	_ =	swait.ge @!p0 [sflag:s1], $0x1400  }
0x44: {  	[sflag:s1] =	ssyncset.done @!p0 $0x0  }
0x45: {  	s14 =	simm.s32 $0x186E0;
	[sflag:s1] =	ssyncadd.s32 @!p0 $0xFFFFEC00  }
0x46: {  	s13 =	simm.s32 $0x19AE0;
	v0 =	vld [tilespmem:s14+$0x0]  }
0x47: {  	v1 =	vld [tilespmem:s13+$0x0];
	_ =	sdelay $0x4  }
0x48: {  	v2 =	vshll.u32 v0, $0x10;
	v3 =	vshll.u32 v1, $0x10  }
0x49: {  	v0 =	vand.u32 $0xFFFF0000, v0;
	v1 =	vand.u32 $0xFFFF0000, v1;
	v2 =	vadd.f32 v3, v2  }
0x4a: {  	s20 =	simm.s32 $0x1AF20;
	v0 =	vadd.f32 v1, v0  }
0x4b: {  	[tilespmem:s20+$0x0] =	vst v2  }
0x4c: {  	[tilespmem:s20+$0x40] =	vst v0  }
0x4d: {  	v0 =	vld [tilespmem:s14+$0x10]  }
0x4e: {  	v1 =	vld [tilespmem:s13+$0x10];
	_ =	sdelay $0x1  }
0x4f: {  	s16 =	simm.s32 $0x19B60  }
0x50: {  	s15 =	simm.s32 $0x18760;
	v3 =	vld [tilespmem:s16+$0x0]  }
0x51: {  	v2 =	vld [tilespmem:s15+$0x0]  }
0x52: {  	v4 =	vld [tilespmem:s13+$0xFFFFFFC0];
	v5 =	vshll.u32 v0, $0x10;
	v6 =	vshll.u32 v1, $0x10  }
0x53: {  	v7 =	vld [tilespmem:s14+$0xFFFFFFC0];
	v0 =	vand.u32 $0xFFFF0000, v0;
	v1 =	vand.u32 $0xFFFF0000, v1;
	v5 =	vadd.f32 v6, v5  }
0x54: {  	v6 =	vld [tilespmem:s16+$0xFFFFFFC0];
	v0 =	vadd.f32 v1, v0  }
0x55: {  	v1 =	vld [tilespmem:s15+$0xFFFFFFC0];
	[tilespmem:s20+$0x10] =	vst v5  }
0x56: {  	v8 =	vshll.u32 v3, $0x10;
	v5 =	vshll.u32 v2, $0x10;
	[tilespmem:s20+$0x50] =	vst v0  }
0x57: {  	v3 =	vand.u32 $0xFFFF0000, v3;
	v2 =	vand.u32 $0xFFFF0000, v2;
	v0 =	vadd.f32 v8, v5;
	v5 =	vld [tilespmem:s14+$0x20]  }
0x58: {  	s19 =	simm.s32 $0x1B020;
	v9 =	vshll.u32 v7, $0x10;
	v8 =	vshll.u32 v4, $0x10;
	v2 =	vadd.f32 v3, v2;
	v3 =	vld [tilespmem:s13+$0x20]  }
0x59: {  	v7 =	vand.u32 $0xFFFF0000, v7;
	v4 =	vand.u32 $0xFFFF0000, v4;
	v8 =	vadd.f32 v8, v9;
	[tilespmem:s19+$0x0] =	vst v0  }
0x5a: {  	v0 =	vadd.f32 v4, v7;
	v4 =	vshll.u32 v6, $0x10;
	v7 =	vshll.u32 v1, $0x10;
	[tilespmem:s19+$0x40] =	vst v2  }
0x5b: {  	v2 =	vand.u32 $0xFFFF0000, v6;
	v1 =	vand.u32 $0xFFFF0000, v1;
	[tilespmem:s20+$0xFFFFFF80] =	vst v8;
	v4 =	vadd.f32 v4, v7;
	v6 =	vld [tilespmem:s15+$0x10]  }
0x5c: {  	s7 =	simm.s32 $0x187E0;
	[tilespmem:s20+$0xFFFFFFC0] =	vst v0;
	v0 =	vadd.f32 v2, v1;
	v1 =	vld [tilespmem:s16+$0x10]  }
0x5d: {  	v11 =	vld [tilespmem:s7+$0xFFFFFFC0];
	[tilespmem:s19+$0xFFFFFF80] =	vst v4;
	v4 =	vshll.u32 v5, $0x10;
	v7 =	vshll.u32 v3, $0x10  }
0x5e: {  	v2 =	vld [tilespmem:s14+$0xFFFFFFD0];
	v3 =	vand.u32 $0xFFFF0000, v3;
	[tilespmem:s19+$0xFFFFFFC0] =	vst v0;
	v0 =	vadd.f32 v7, v4;
	v4 =	vand.u32 $0xFFFF0000, v5  }
0x5f: {  	v8 =	vld [tilespmem:s13+$0xFFFFFFD0];
	v3 =	vadd.f32 v3, v4  }
0x60: {  	s17 =	simm.s32 $0x19BE0;
	v4 =	vld [tilespmem:s7+$0x0];
	[tilespmem:s20+$0x20] =	vst v0  }
0x61: {  	v0 =	vld [tilespmem:s17+$0x0];
	[tilespmem:s20+$0x60] =	vst v3;
	v3 =	vshll.u32 v6, $0x10;
	v7 =	vshll.u32 v1, $0x10  }
0x62: {  	v5 =	vld [tilespmem:s15+$0xFFFFFFD0];
	v6 =	vand.u32 $0xFFFF0000, v6;
	v1 =	vand.u32 $0xFFFF0000, v1;
	v3 =	vadd.f32 v7, v3  }
0x63: {  	v9 =	vld [tilespmem:s14+$0x30];
	v1 =	vadd.f32 v1, v6  }
0x64: {  	v7 =	vld [tilespmem:s17+$0xFFFFFFC0];
	v6 =	vshll.u32 v2, $0x10;
	v10 =	vshll.u32 v8, $0x10;
	[tilespmem:s19+$0x10] =	vst v3  }
0x65: {  	v2 =	vand.u32 $0xFFFF0000, v2;
	v3 =	vadd.f32 v10, v6;
	v6 =	vand.u32 $0xFFFF0000, v8;
	v8 =	vld [tilespmem:s13+$0x30];
	[tilespmem:s19+$0x50] =	vst v1  }
0x66: {  	v1 =	vadd.f32 v6, v2;
	v2 =	vshll.u32 v4, $0x10;
	v6 =	vshll.u32 v0, $0x10;
	v10 =	vld [tilespmem:s15+$0x20]  }
0x67: {  	v0 =	vand.u32 $0xFFFF0000, v0;
	[tilespmem:s20+$0xFFFFFF90] =	vst v3;
	v2 =	vadd.f32 v6, v2;
	v3 =	vand.u32 $0xFFFF0000, v4;
	v4 =	vld [tilespmem:s16+$0x20]  }
0x68: {  	s22 =	simm.s32 $0x1B120;
	v12 =	vshll.u32 v11, $0x10;
	[tilespmem:s20+$0xFFFFFFD0] =	vst v1;
	v1 =	vld [tilespmem:s16+$0xFFFFFFD0];
	v0 =	vadd.f32 v0, v3  }
0x69: {  	v11 =	vand.u32 $0xFFFF0000, v11;
	v3 =	vshll.u32 v5, $0x10;
	v6 =	vshll.u32 v7, $0x10;
	[tilespmem:s22+$0x0] =	vst v2;
	v2 =	vld [tilespmem:s14+$0xFFFFFFE0]  }
0x6a: {  	v7 =	vand.u32 $0xFFFF0000, v7;
	v5 =	vand.u32 $0xFFFF0000, v5;
	v6 =	vadd.f32 v6, v12;
	[tilespmem:s22+$0x40] =	vst v0;
	v0 =	vld [tilespmem:s13+$0xFFFFFFE0]  }
0x6b: {  	v12 =	vand.u32 $0xFFFF0000, v9;
	v7 =	vadd.f32 v7, v11;
	v13 =	vand.u32 $0xFFFF0000, v8;
	v11 =	vld [tilespmem:s7+$0x10]  }
0x6c: {  	[tilespmem:s22+$0xFFFFFF80] =	vst v6;
	v6 =	vld [tilespmem:s17+$0x10];
	v14 =	vshll.u32 v10, $0x10;
	v10 =	vand.u32 $0xFFFF0000, v10;
	v15 =	vshll.u32 v4, $0x10  }
0x6d: {  	[tilespmem:s22+$0xFFFFFFC0] =	vst v7;
	v12 =	vadd.f32 v13, v12;
	v4 =	vand.u32 $0xFFFF0000, v4;
	v7 =	vadd.f32 v15, v14  }
0x6e: {  	s9 =	simm.s32 $0x18860;
	v13 =	vshll.u32 v1, $0x10;
	v14 =	vld [tilespmem:s7+$0xFFFFFFD0];
	v4 =	vadd.f32 v4, v10;
	v1 =	vand.u32 $0xFFFF0000, v1  }
0x6f: {  	s10 =	simm.s32 $0x19C60;
	v9 =	vshll.u32 v9, $0x10;
	v10 =	vld [tilespmem:s9+$0x0];
	v3 =	vadd.f32 v13, v3;
	v1 =	vadd.f32 v1, v5;
	[tilespmem:s19+$0x20] =	vst v7  }
0x70: {  	v5 =	vshll.u32 v2, $0x10;
	v2 =	vand.u32 $0xFFFF0000, v2;
	v7 =	vshll.u32 v8, $0x10;
	v8 =	vld [tilespmem:s10+$0x0];
	[tilespmem:s19+$0x60] =	vst v4  }
0x71: {  	[tilespmem:s20+$0x70] =	vst v12;
	v4 =	vshll.u32 v0, $0x10;
	v13 =	vshll.u32 v11, $0x10;
	v15 =	vshll.u32 v6, $0x10;
	v16 =	vld [tilespmem:s15+$0x30]  }
0x72: {  	v11 =	vand.u32 $0xFFFF0000, v11;
	v6 =	vand.u32 $0xFFFF0000, v6;
	[tilespmem:s19+$0xFFFFFF90] =	vst v3;
	v3 =	vld [tilespmem:s10+$0xFFFFFFC0];
	v12 =	vadd.f32 v15, v13  }
0x73: {  	v0 =	vand.u32 $0xFFFF0000, v0;
	v4 =	vadd.f32 v4, v5;
	[tilespmem:s19+$0xFFFFFFD0] =	vst v1;
	v13 =	vld [tilespmem:s16+$0x30];
	v6 =	vadd.f32 v6, v11  }
0x74: {  	v0 =	vadd.f32 v0, v2;
	v5 =	vld [tilespmem:s9+$0xFFFFFFC0];
	v7 =	vadd.f32 v7, v9;
	[tilespmem:s22+$0x10] =	vst v12  }
0x75: {  	v2 =	vshll.u32 v14, $0x10;
	v11 =	vand.u32 $0xFFFF0000, v14;
	v9 =	vshll.u32 v10, $0x10;
	v12 =	vld [tilespmem:s17+$0xFFFFFFD0];
	[tilespmem:s22+$0x50] =	vst v6  }
0x76: {  	[tilespmem:s20+$0xFFFFFFA0] =	vst v4;
	v6 =	vand.u32 $0xFFFF0000, v10;
	v1 =	vshll.u32 v8, $0x10;
	v8 =	vand.u32 $0xFFFF0000, v8;
	v10 =	vld [tilespmem:s7+$0x20]  }
0x77: {  	[tilespmem:s20+$0xFFFFFFE0] =	vst v0;
	v1 =	vadd.f32 v1, v9;
	v4 =	vadd.f32 v8, v6;
	v6 =	vld [tilespmem:s17+$0x20];
	v8 =	vand.u32 $0xFFFF0000, v16  }
0x78: {  	s11 =	simm.s32 $0x1B220;
	v14 =	vld [tilespmem:s15+$0xFFFFFFE0];
	[tilespmem:s20+$0x30] =	vst v7;
	v9 =	vshll.u32 v3, $0x10;
	v3 =	vand.u32 $0xFFFF0000, v3;
	v0 =	vand.u32 $0xFFFF0000, v13  }
0x79: {  	v15 =	vld [tilespmem:s14+$0xFFFFFFF0];
	[tilespmem:s11+$0x0] =	vst v1;
	v0 =	vadd.f32 v0, v8;
	v1 =	vshll.u32 v5, $0x10;
	v5 =	vand.u32 $0xFFFF0000, v5  }
0x7a: {  	v8 =	vld [tilespmem:s16+$0xFFFFFFE0];
	[tilespmem:s11+$0x40] =	vst v4;
	v4 =	vshll.u32 v16, $0x10;
	v1 =	vadd.f32 v9, v1;
	v9 =	vshll.u32 v12, $0x10  }
0x7b: {  	v3 =	vadd.f32 v3, v5;
	v5 =	vld [tilespmem:s9+$0x10];
	[tilespmem:s19+$0x70] =	vst v0;
	v0 =	vadd.f32 v9, v2;
	v2 =	vand.u32 $0xFFFF0000, v12  }
0x7c: {  	v9 =	vshll.u32 v13, $0x10;
	v12 =	vshll.u32 v10, $0x10;
	[tilespmem:s11+$0xFFFFFF80] =	vst v1;
	v1 =	vld [tilespmem:s10+$0x10];
	v13 =	vshll.u32 v6, $0x10  }
0x7d: {  	v10 =	vand.u32 $0xFFFF0000, v10;
	[tilespmem:s11+$0xFFFFFFC0] =	vst v3;
	v6 =	vand.u32 $0xFFFF0000, v6;
	v3 =	vadd.f32 v13, v12;
	v12 =	vld [tilespmem:s13+$0xFFFFFFF0]  }
0x7e: {  	v2 =	vadd.f32 v2, v11;
	v7 =	vld [tilespmem:s9+$0xFFFFFFD0];
	s13 =	simm.s32 $0x188E0;
	v6 =	vadd.f32 v6, v10;
	v10 =	vshll.u32 v14, $0x10;
	[tilespmem:s22+$0xFFFFFF90] =	vst v0  }
0x7f: {  	s30 =	simm.s32 $0x19CE0;
	v0 =	vand.u32 $0xFFFF0000, v15;
	v11 =	vshll.u32 v8, $0x10;
	v13 =	vld [tilespmem:s13+$0x0];
	v8 =	vand.u32 $0xFFFF0000, v8;
	[tilespmem:s22+$0x20] =	vst v3  }
0x80: {  	v3 =	vand.u32 $0xFFFF0000, v14;
	v10 =	vadd.f32 v11, v10;
	v11 =	vld [tilespmem:s30+$0x0];
	[tilespmem:s22+$0x60] =	vst v6;
	v6 =	vshll.u32 v15, $0x10  }
0x81: {  	v3 =	vadd.f32 v8, v3;
	v8 =	vshll.u32 v5, $0x10;
	v15 =	vld [tilespmem:s7+$0x30];
	v14 =	vshll.u32 v1, $0x10  }
0x82: {  	[tilespmem:s22+$0xFFFFFFD0] =	vst v2;
	v5 =	vand.u32 $0xFFFF0000, v5;
	v1 =	vand.u32 $0xFFFF0000, v1;
	v2 =	vadd.f32 v14, v8;
	v14 =	vld [tilespmem:s17+$0x30]  }
0x83: {  	v9 =	vadd.f32 v9, v4;
	[tilespmem:s19+$0xFFFFFFA0] =	vst v10;
	v8 =	vld [tilespmem:s30+$0xFFFFFFC0];
	v10 =	vshll.u32 v7, $0x10;
	v5 =	vadd.f32 v1, v5  }
0x84: {  	v16 =	vand.u32 $0xFFFF0000, v7;
	v7 =	vld [tilespmem:s13+$0xFFFFFFC0];
	v1 =	vand.u32 $0xFFFF0000, v12;
	[tilespmem:s11+$0x10] =	vst v2;
	v2 =	vshll.u32 v12, $0x10  }
0x85: {  	v4 =	vshll.u32 v13, $0x10;
	v12 =	vshll.u32 v11, $0x10;
	[tilespmem:s11+$0x50] =	vst v5;
	v5 =	vld [tilespmem:s10+$0xFFFFFFD0];
	v2 =	vadd.f32 v2, v6  }
0x86: {  	[tilespmem:s19+$0xFFFFFFE0] =	vst v3;
	v3 =	vadd.f32 v12, v4;
	v4 =	vand.u32 $0xFFFF0000, v13;
	v6 =	vand.u32 $0xFFFF0000, v11;
	v11 =	vld [tilespmem:s9+$0x20]  }
0x87: {  	[tilespmem:s19+$0x30] =	vst v9;
	v13 =	vld [tilespmem:s10+$0x20];
	v12 =	vand.u32 $0xFFFF0000, v15;
	v4 =	vadd.f32 v6, v4;
	v17 =	vand.u32 $0xFFFF0000, v14  }
0x88: {  	s14 =	simm.s32 $0x1B320;
	v6 =	vld [tilespmem:s7+$0xFFFFFFE0];
	[tilespmem:s20+$0xFFFFFFB0] =	vst v2;
	v18 =	vshll.u32 v8, $0x10;
	v8 =	vand.u32 $0xFFFF0000, v8;
	v2 =	vshll.u32 v15, $0x10  }
0x89: {  	[tilespmem:s14+$0x0] =	vst v3;
	v3 =	vadd.f32 v17, v12;
	v12 =	vshll.u32 v7, $0x10;
	v17 =	vand.u32 $0xFFFF0000, v7;
	v7 =	vld [tilespmem:s17+$0xFFFFFFE0]  }
0x8a: {  	[tilespmem:s14+$0x40] =	vst v4;
	v4 =	vld [tilespmem:s15+$0xFFFFFFF0];
	v12 =	vadd.f32 v18, v12;
	v15 =	vadd.f32 v8, v17;
	v17 =	vshll.u32 v5, $0x10  }
0x8b: {  	v8 =	vld [tilespmem:s13+$0x10];
	v5 =	vand.u32 $0xFFFF0000, v5;
	[tilespmem:s22+$0x70] =	vst v3;
	v17 =	vadd.f32 v17, v10;
	v3 =	vshll.u32 v14, $0x10  }
0x8c: {  	s1 =	smul.u32 $0x50, s0;
	v10 =	vld [tilespmem:s30+$0x10];
	v9 =	vadd.f32 v5, v16;
	v5 =	vshll.u32 v11, $0x10;
	[tilespmem:s14+$0xFFFFFF80] =	vst v12;
	v12 =	vshll.u32 v13, $0x10  }
0x8d: {  	s8 =	simm.s32 $0x8;
	v14 =	vand.u32 $0xFFFF0000, v11;
	[tilespmem:s14+$0xFFFFFFC0] =	vst v15;
	v13 =	vand.u32 $0xFFFF0000, v13;
	v12 =	vadd.f32 v12, v5;
	v5 =	vld [tilespmem:s16+$0xFFFFFFF0]  }
0x8e: {  	s29 =	sadd.s32 s6, s1;
	s15 =	simm.s32 $0x18960;
	v11 =	vld [tilespmem:s13+$0xFFFFFFD0];
	[tilespmem:s11+$0xFFFFFF90] =	vst v17;
	v15 =	vadd.f32 v13, v14;
	v13 =	vshll.u32 v6, $0x10;
	s16 =	simm.s32 $0x19CE0;
	v14 =	vshll.u32 v7, $0x10  }
.LBB2_3:
0x8f: {  	v16 =	vld [tilespmem:s15+$0x0];
	s30 =	sadd.s32 $0x80, s30;
	[tilespmem:s11+$0x20] =	vst v12;
	v12 =	vadd.f32 v14, v13;
	v6 =	vand.u32 $0xFFFF0000, v6;
	v7 =	vand.u32 $0xFFFF0000, v7  }
0x90: {  	v13 =	vld [tilespmem:s30+$0x0];
	[tilespmem:s11+$0x60] =	vst v15;
	v6 =	vadd.f32 v7, v6;
	v7 =	vshll.u32 v4, $0x10;
	v4 =	vand.u32 $0xFFFF0000, v4  }
0x91: {  	v17 =	vadd.f32 v1, v0;
	v14 =	vshll.u32 v8, $0x10;
	v15 =	vshll.u32 v10, $0x10;
	[tilespmem:s11+$0xFFFFFFD0] =	vst v9;
	v9 =	vld [tilespmem:s9+$0x30];
	v0 =	vmovc v4  }
0x92: {  	v4 =	vand.u32 $0xFFFF0000, v8;
	v8 =	vand.u32 $0xFFFF0000, v10;
	v1 =	vadd.f32 v15, v14;
	v10 =	vld [tilespmem:s10+$0x30];
	[tilespmem:s22+$0xFFFFFFA0] =	vst v12  }
0x93: {  	v4 =	vadd.f32 v8, v4;
	v12 =	vld [tilespmem:s30+$0xFFFFFFC0];
	v14 =	vshll.u32 v11, $0x10;
	v11 =	vand.u32 $0xFFFF0000, v11;
	[tilespmem:s22+$0xFFFFFFE0] =	vst v6  }
0x94: {  	v15 =	vadd.f32 v3, v2;
	v2 =	vshll.u32 v5, $0x10;
	v8 =	vld [tilespmem:s15+$0xFFFFFFC0];
	[tilespmem:s14+$0x10] =	vst v1;
	v1 =	vand.u32 $0xFFFF0000, v5  }
0x95: {  	v2 =	vadd.f32 v2, v7;
	v3 =	vshll.u32 v16, $0x10;
	v5 =	vshll.u32 v13, $0x10;
	v18 =	vld [tilespmem:s16+$0xFFFFFFD0];
	[tilespmem:s14+$0x50] =	vst v4  }
0x96: {  	v4 =	vand.u32 $0xFFFF0000, v16;
	v3 =	vadd.f32 v5, v3;
	v5 =	vand.u32 $0xFFFF0000, v13;
	v13 =	vld [tilespmem:s13+$0x20];
	[tilespmem:s20+$0xFFFFFFF0] =	vst v17;
	s20 =	smov.u32 s19;
	s19 =	smov.u32 s22;
	s22 =	smov.u32 s11  }
0x97: {  	s8 =	sadd.s32 $0x2, s8;
	v7 =	vand.u32 $0xFFFF0000, v9;
	s11 =	smov.u32 s14;
	s14 =	sadd.s32 $0x100, s14;
	v4 =	vadd.f32 v5, v4;
	v5 =	vld [tilespmem:s16+$0x20];
	v16 =	vand.u32 $0xFFFF0000, v10;
	[tilespmem:s20+$0xFFFFFFB0] =	vst v2  }
0x98: {  	p1 =	slt.u32 s8, $0x26;
	v17 =	vshll.u32 v12, $0x10;
	v12 =	vand.u32 $0xFFFF0000, v12;
	[tilespmem:s14+$0x0] =	vst v3;
	v6 =	vld [tilespmem:s9+$0xFFFFFFE0];
	v3 =	vadd.f32 v16, v7  }
0x99: {  	v2 =	vshll.u32 v9, $0x10;
	v16 =	vshll.u32 v8, $0x10;
	v8 =	vand.u32 $0xFFFF0000, v8;
	[tilespmem:s14+$0x40] =	vst v4;
	v7 =	vld [tilespmem:s10+$0xFFFFFFE0]  }
.Ltmp2:
0x9a: {  	v9 =	vadd.f32 v17, v16;
	v12 =	vadd.f32 v12, v8;
	v16 =	vshll.u32 v18, $0x10;
	[tilespmem:s22+$0x70] =	vst v3;
	v4 =	vld [tilespmem:s7+$0xFFFFFFF0];
	s7 =	smov.u32 s9;
	s9 =	smov.u32 s13;
	(pc) =	sbr.rel @p1 .LBB2_3-.Ltmp2, $4  }
0x9b: {  	v3 =	vshll.u32 v10, $0x10;
	s13 =	smov.u32 s15;
	v8 =	vld [tilespmem:s15+$0x10];
	v14 =	vadd.f32 v16, v14;
	v16 =	vand.u32 $0xFFFF0000, v18;
	[tilespmem:s19+$0x30] =	vst v15  }
0x9c: {  	[tilespmem:s14+$0xFFFFFF80] =	vst v9;
	v10 =	vld [tilespmem:s30+$0x10];
	v9 =	vadd.f32 v16, v11;
	v11 =	vshll.u32 v13, $0x10;
	v15 =	vshll.u32 v5, $0x10  }
0x9d: {  	v13 =	vand.u32 $0xFFFF0000, v13;
	[tilespmem:s14+$0xFFFFFFC0] =	vst v12;
	v12 =	vadd.f32 v15, v11;
	v15 =	vand.u32 $0xFFFF0000, v5;
	v5 =	vld [tilespmem:s17+$0xFFFFFFF0];
	s17 =	smov.u32 s10;
	s10 =	smov.u32 s16;
	s16 =	smov.u32 s30  }
0x9e: {  	s15 =	sadd.s32 $0x80, s15;
	v11 =	vld [tilespmem:s13+$0xFFFFFFD0];
	[tilespmem:s11+$0xFFFFFF90] =	vst v14;
	v15 =	vadd.f32 v15, v13;
	v13 =	vshll.u32 v6, $0x10;
	v14 =	vshll.u32 v7, $0x10  }
0x9f: {  	_ =	sdelay $0x1  }
0xa0: {  	v16 =	vshll.u32 v8, $0x10;
	v17 =	vshll.u32 v10, $0x10  }
0xa1: {  	v8 =	vand.u32 $0xFFFF0000, v8;
	v10 =	vand.u32 $0xFFFF0000, v10;
	v16 =	vadd.f32 v17, v16;
	v17 =	vld [tilespmem:s16+$0xFFFFFFD0]  }
0xa2: {  	[tilespmem:s11+$0x20] =	vst v12;
	v8 =	vadd.f32 v10, v8  }
0xa3: {  	[tilespmem:s14+$0x10] =	vst v16  }
0xa4: {  	[tilespmem:s14+$0x50] =	vst v8  }
0xa5: {  	[tilespmem:s11+$0xFFFFFFD0] =	vst v9;
	v8 =	vld [tilespmem:s13+$0x20]  }
0xa6: {  	v13 =	vadd.f32 v14, v13;
	[tilespmem:s11+$0x60] =	vst v15;
	v10 =	vshll.u32 v11, $0x10;
	v12 =	vld [tilespmem:s16+$0x20];
	v15 =	vshll.u32 v17, $0x10  }
0xa7: {  	v14 =	vld [tilespmem:s10+$0xFFFFFFE0];
	v11 =	vand.u32 $0xFFFF0000, v11;
	v10 =	vadd.f32 v15, v10;
	v15 =	vand.u32 $0xFFFF0000, v17  }
0xa8: {  	v9 =	vld [tilespmem:s9+$0x30];
	v11 =	vadd.f32 v15, v11  }
0xa9: {  	v6 =	vand.u32 $0xFFFF0000, v6;
	v7 =	vand.u32 $0xFFFF0000, v7;
	v16 =	vld [tilespmem:s9+$0xFFFFFFE0];
	[tilespmem:s14+$0xFFFFFF90] =	vst v10  }
0xaa: {  	v6 =	vadd.f32 v7, v6;
	v7 =	vld [tilespmem:s10+$0x30];
	[tilespmem:s14+$0xFFFFFFD0] =	vst v11  }
0xab: {  	v0 =	vadd.f32 v1, v0;
	[tilespmem:s22+$0xFFFFFFA0] =	vst v13;
	v1 =	vshll.u32 v8, $0x10;
	v10 =	vshll.u32 v12, $0x10;
	v11 =	vld [tilespmem:s13+$0xFFFFFFE0]  }
0xac: {  	[tilespmem:s22+$0xFFFFFFE0] =	vst v6;
	v6 =	vand.u32 $0xFFFF0000, v8;
	v8 =	vand.u32 $0xFFFF0000, v12;
	v1 =	vadd.f32 v10, v1;
	v10 =	vld [tilespmem:s16+$0xFFFFFFE0]  }
0xad: {  	[tilespmem:s20+$0xFFFFFFF0] =	vst v0;
	v13 =	vshll.u32 v5, $0x10;
	v12 =	vshll.u32 v4, $0x10;
	v0 =	vadd.f32 v8, v6  }
0xae: {  	v6 =	vadd.f32 v13, v12;
	v8 =	vld [tilespmem:s7+$0xFFFFFFF0];
	v12 =	vshll.u32 v16, $0x10;
	v13 =	vshll.u32 v14, $0x10;
	[tilespmem:s14+$0x20] =	vst v1  }
0xaf: {  	v14 =	vand.u32 $0xFFFF0000, v14;
	v12 =	vadd.f32 v13, v12;
	v13 =	vand.u32 $0xFFFF0000, v16;
	v1 =	vld [tilespmem:s17+$0xFFFFFFF0];
	[tilespmem:s14+$0x60] =	vst v0  }
0xb0: {  	v15 =	vand.u32 $0xFFFF0000, v7;
	v0 =	vand.u32 $0xFFFF0000, v9;
	[tilespmem:s19+$0xFFFFFFB0] =	vst v6;
	v6 =	vadd.f32 v14, v13;
	v13 =	vld [tilespmem:s13+$0x30]  }
0xb1: {  	v0 =	vadd.f32 v15, v0;
	v14 =	vld [tilespmem:s16+$0x30];
	[tilespmem:s11+$0xFFFFFFA0] =	vst v12;
	v12 =	vshll.u32 v11, $0x10;
	v15 =	vshll.u32 v10, $0x10  }
0xb2: {  	[tilespmem:s11+$0xFFFFFFE0] =	vst v6;
	v11 =	vand.u32 $0xFFFF0000, v11;
	v10 =	vand.u32 $0xFFFF0000, v10;
	v6 =	vadd.f32 v15, v12  }
0xb3: {  	[tilespmem:s11+$0x70] =	vst v0;
	v0 =	vld [tilespmem:s9+$0xFFFFFFF0];
	v10 =	vadd.f32 v10, v11  }
0xb4: {  	v2 =	vadd.f32 v3, v2;
	v3 =	vand.u32 $0xFFFF0000, v5;
	v4 =	vand.u32 $0xFFFF0000, v4;
	v5 =	vld [tilespmem:s10+$0xFFFFFFF0];
	[tilespmem:s14+$0xFFFFFFA0] =	vst v6  }
0xb5: {  	v3 =	vadd.f32 v3, v4;
	v4 =	vshll.u32 v1, $0x10;
	v6 =	vshll.u32 v8, $0x10;
	[tilespmem:s14+$0xFFFFFFE0] =	vst v10  }
0xb6: {  	[tilespmem:s22+$0x30] =	vst v2;
	v2 =	vadd.f32 v4, v6;
	v4 =	vand.u32 $0xFFFF0000, v13;
	v6 =	vand.u32 $0xFFFF0000, v14;
	v10 =	vld [tilespmem:s13+$0xFFFFFFF0]  }
0xb7: {  	v7 =	vshll.u32 v7, $0x10;
	v9 =	vshll.u32 v9, $0x10;
	[tilespmem:s19+$0xFFFFFFF0] =	vst v3;
	v3 =	vadd.f32 v6, v4;
	v4 =	vld [tilespmem:s16+$0xFFFFFFF0]  }
0xb8: {  	v7 =	vadd.f32 v7, v9;
	v1 =	vand.u32 $0xFFFF0000, v1;
	v6 =	vand.u32 $0xFFFF0000, v8;
	[tilespmem:s22+$0xFFFFFFB0] =	vst v2  }
0xb9: {  	v2 =	vshll.u32 v0, $0x10;
	v1 =	vadd.f32 v1, v6;
	[tilespmem:s14+$0x70] =	vst v3;
	v3 =	vshll.u32 v5, $0x10  }
0xba: {  	[tilespmem:s11+$0x30] =	vst v7;
	v8 =	vshll.u32 v14, $0x10;
	v6 =	vshll.u32 v13, $0x10;
	v2 =	vadd.f32 v3, v2  }
0xbb: {  	v0 =	vand.u32 $0xFFFF0000, v0;
	v5 =	vand.u32 $0xFFFF0000, v5;
	v3 =	vadd.f32 v8, v6;
	[tilespmem:s22+$0xFFFFFFF0] =	vst v1  }
0xbc: {  	v0 =	vadd.f32 v5, v0;
	v1 =	vshll.u32 v10, $0x10;
	[tilespmem:s11+$0xFFFFFFB0] =	vst v2;
	v2 =	vshll.u32 v4, $0x10  }
0xbd: {  	[tilespmem:s14+$0x30] =	vst v3;
	v3 =	vand.u32 $0xFFFF0000, v10;
	v4 =	vand.u32 $0xFFFF0000, v4;
	v1 =	vadd.f32 v2, v1  }
0xbe: {  	[tilespmem:s11+$0xFFFFFFF0] =	vst v0;
	v0 =	vadd.f32 v4, v3  }
0xbf: {  	s15 =	sshll.u32 s29, $0x4;
	[tilespmem:s14+$0xFFFFFFB0] =	vst v1  }
0xc0: {  	p1 =	seq.s32 s0, $0x7C;
	s7 =	sadd.s32 s5, s15;
	[tilespmem:s14+$0xFFFFFFF0] =	vst v0  }
0xc1: {  	[hbm4b:s7+s4] =	stream.linear.scatter [tilespmem:s25], [sflag:$0x3], $0x1400, $0x38;
	[tilespmem:$0x1D6A0] =	vst v63  }
0xc2: {  	s8 =	simm.s32 @!p1 $0x28;
	s9 =	simm.s32 @!p1 $0x186A0;
	s7 =	sadd.s32 @!p1 $0x50, s1  }
0xc3: {  	[tilespmem:s9], [sflag:$0x1] =	stream.indirect.gather @!p1 [spmem:s2], $0x40, s7, s8, $0xb8;
	[tilespmem:$0x1D6A0] =	vst v63  }
0xc4: {  	s7 =	sadd.s32 @!p1 $0x2760, s1;
	s9 =	simm.s32 @!p1 $0x19AA0  }
0xc5: {  	[tilespmem:s9], [sflag:$0x1] =	stream.indirect.gather @!p1 [spmem:s3], $0x40, s7, s8, $0xb8;
	[tilespmem:$0x1D6A0] =	vst v63  }
0xc6: {  	_ =	swait.ge [sflag:s26], $0xA00  }
0xc7: {  	[sflag:s26] =	ssyncset.done $0x0  }
0xc8: {  	[sflag:s26] =	ssyncadd.s32 $0xFFFFF600  }
0xc9: {  	_ =	swait.ge [sflag:s26], $0xA00  }
0xca: {  	[sflag:s26] =	ssyncset.done $0x0  }
0xcb: {  	s7 =	simm.s32 @!p0 $0x4;
	[sflag:s26] =	ssyncadd.s32 $0xFFFFF600  }
0xcc: {  	_ =	swait.ge @!p0 [sflag:s7], $0x1400  }
0xcd: {  	[sflag:s7] =	ssyncset.done @!p0 $0x0  }
0xce: {  	s16 =	simm.s32 $0x190E0;
	[sflag:s7] =	ssyncadd.s32 @!p0 $0xFFFFEC00  }
0xcf: {  	s8 =	simm.s32 $0x1A4E0;
	v0 =	vld [tilespmem:s16+$0x0]  }
0xd0: {  	v1 =	vld [tilespmem:s8+$0x0];
	_ =	sdelay $0x4  }
0xd1: {  	v2 =	vshll.u32 v0, $0x10;
	v3 =	vshll.u32 v1, $0x10  }
0xd2: {  	v0 =	vand.u32 $0xFFFF0000, v0;
	v1 =	vand.u32 $0xFFFF0000, v1;
	v2 =	vadd.f32 v3, v2  }
0xd3: {  	s20 =	simm.s32 $0x1C320;
	v0 =	vadd.f32 v1, v0  }
0xd4: {  	[tilespmem:s20+$0x0] =	vst v2  }
0xd5: {  	[tilespmem:s20+$0x40] =	vst v0  }
0xd6: {  	v0 =	vld [tilespmem:s16+$0x10]  }
0xd7: {  	v1 =	vld [tilespmem:s8+$0x10];
	_ =	sdelay $0x1  }
0xd8: {  	s15 =	simm.s32 $0x1A560  }
0xd9: {  	s29 =	simm.s32 $0x19160;
	v3 =	vld [tilespmem:s15+$0x0]  }
0xda: {  	v2 =	vld [tilespmem:s29+$0x0]  }
0xdb: {  	v4 =	vld [tilespmem:s8+$0xFFFFFFC0];
	v5 =	vshll.u32 v0, $0x10;
	v6 =	vshll.u32 v1, $0x10  }
0xdc: {  	v7 =	vld [tilespmem:s16+$0xFFFFFFC0];
	v0 =	vand.u32 $0xFFFF0000, v0;
	v1 =	vand.u32 $0xFFFF0000, v1;
	v5 =	vadd.f32 v6, v5  }
0xdd: {  	v6 =	vld [tilespmem:s15+$0xFFFFFFC0];
	v0 =	vadd.f32 v1, v0  }
0xde: {  	v1 =	vld [tilespmem:s29+$0xFFFFFFC0];
	[tilespmem:s20+$0x10] =	vst v5  }
0xdf: {  	v8 =	vshll.u32 v3, $0x10;
	v5 =	vshll.u32 v2, $0x10;
	[tilespmem:s20+$0x50] =	vst v0  }
0xe0: {  	v3 =	vand.u32 $0xFFFF0000, v3;
	v2 =	vand.u32 $0xFFFF0000, v2;
	v0 =	vadd.f32 v8, v5;
	v5 =	vld [tilespmem:s16+$0x20]  }
0xe1: {  	s19 =	simm.s32 $0x1C420;
	v9 =	vshll.u32 v7, $0x10;
	v8 =	vshll.u32 v4, $0x10;
	v2 =	vadd.f32 v3, v2;
	v3 =	vld [tilespmem:s8+$0x20]  }
0xe2: {  	v7 =	vand.u32 $0xFFFF0000, v7;
	v4 =	vand.u32 $0xFFFF0000, v4;
	v8 =	vadd.f32 v8, v9;
	[tilespmem:s19+$0x0] =	vst v0  }
0xe3: {  	v0 =	vadd.f32 v4, v7;
	v4 =	vshll.u32 v6, $0x10;
	v7 =	vshll.u32 v1, $0x10;
	[tilespmem:s19+$0x40] =	vst v2  }
0xe4: {  	v2 =	vand.u32 $0xFFFF0000, v6;
	v1 =	vand.u32 $0xFFFF0000, v1;
	[tilespmem:s20+$0xFFFFFF80] =	vst v8;
	v4 =	vadd.f32 v4, v7;
	v6 =	vld [tilespmem:s29+$0x10]  }
0xe5: {  	s17 =	simm.s32 $0x191E0;
	[tilespmem:s20+$0xFFFFFFC0] =	vst v0;
	v0 =	vadd.f32 v2, v1;
	v1 =	vld [tilespmem:s15+$0x10]  }
0xe6: {  	v11 =	vld [tilespmem:s17+$0xFFFFFFC0];
	[tilespmem:s19+$0xFFFFFF80] =	vst v4;
	v4 =	vshll.u32 v5, $0x10;
	v7 =	vshll.u32 v3, $0x10  }
0xe7: {  	v2 =	vld [tilespmem:s16+$0xFFFFFFD0];
	v3 =	vand.u32 $0xFFFF0000, v3;
	[tilespmem:s19+$0xFFFFFFC0] =	vst v0;
	v0 =	vadd.f32 v7, v4;
	v4 =	vand.u32 $0xFFFF0000, v5  }
0xe8: {  	v8 =	vld [tilespmem:s8+$0xFFFFFFD0];
	v3 =	vadd.f32 v3, v4  }
0xe9: {  	s7 =	simm.s32 $0x1A5E0;
	v4 =	vld [tilespmem:s17+$0x0];
	[tilespmem:s20+$0x20] =	vst v0  }
0xea: {  	v0 =	vld [tilespmem:s7+$0x0];
	[tilespmem:s20+$0x60] =	vst v3;
	v3 =	vshll.u32 v6, $0x10;
	v7 =	vshll.u32 v1, $0x10  }
0xeb: {  	v5 =	vld [tilespmem:s29+$0xFFFFFFD0];
	v6 =	vand.u32 $0xFFFF0000, v6;
	v1 =	vand.u32 $0xFFFF0000, v1;
	v3 =	vadd.f32 v7, v3  }
0xec: {  	v9 =	vld [tilespmem:s16+$0x30];
	v1 =	vadd.f32 v1, v6  }
0xed: {  	v7 =	vld [tilespmem:s7+$0xFFFFFFC0];
	v6 =	vshll.u32 v2, $0x10;
	v10 =	vshll.u32 v8, $0x10;
	[tilespmem:s19+$0x10] =	vst v3  }
0xee: {  	v2 =	vand.u32 $0xFFFF0000, v2;
	v3 =	vadd.f32 v10, v6;
	v6 =	vand.u32 $0xFFFF0000, v8;
	v8 =	vld [tilespmem:s8+$0x30];
	[tilespmem:s19+$0x50] =	vst v1  }
0xef: {  	v1 =	vadd.f32 v6, v2;
	v2 =	vshll.u32 v4, $0x10;
	v6 =	vshll.u32 v0, $0x10;
	v10 =	vld [tilespmem:s29+$0x20]  }
0xf0: {  	v0 =	vand.u32 $0xFFFF0000, v0;
	[tilespmem:s20+$0xFFFFFF90] =	vst v3;
	v2 =	vadd.f32 v6, v2;
	v3 =	vand.u32 $0xFFFF0000, v4;
	v4 =	vld [tilespmem:s15+$0x20]  }
0xf1: {  	s22 =	simm.s32 $0x1C520;
	v12 =	vshll.u32 v11, $0x10;
	[tilespmem:s20+$0xFFFFFFD0] =	vst v1;
	v1 =	vld [tilespmem:s15+$0xFFFFFFD0];
	v0 =	vadd.f32 v0, v3  }
0xf2: {  	v11 =	vand.u32 $0xFFFF0000, v11;
	v3 =	vshll.u32 v5, $0x10;
	v6 =	vshll.u32 v7, $0x10;
	[tilespmem:s22+$0x0] =	vst v2;
	v2 =	vld [tilespmem:s16+$0xFFFFFFE0]  }
0xf3: {  	v7 =	vand.u32 $0xFFFF0000, v7;
	v5 =	vand.u32 $0xFFFF0000, v5;
	v6 =	vadd.f32 v6, v12;
	[tilespmem:s22+$0x40] =	vst v0;
	v0 =	vld [tilespmem:s8+$0xFFFFFFE0]  }
0xf4: {  	v12 =	vand.u32 $0xFFFF0000, v9;
	v7 =	vadd.f32 v7, v11;
	v13 =	vand.u32 $0xFFFF0000, v8;
	v11 =	vld [tilespmem:s17+$0x10]  }
0xf5: {  	[tilespmem:s22+$0xFFFFFF80] =	vst v6;
	v6 =	vld [tilespmem:s7+$0x10];
	v14 =	vshll.u32 v10, $0x10;
	v10 =	vand.u32 $0xFFFF0000, v10;
	v15 =	vshll.u32 v4, $0x10  }
0xf6: {  	[tilespmem:s22+$0xFFFFFFC0] =	vst v7;
	v12 =	vadd.f32 v13, v12;
	v4 =	vand.u32 $0xFFFF0000, v4;
	v7 =	vadd.f32 v15, v14  }
0xf7: {  	s9 =	simm.s32 $0x19260;
	v13 =	vshll.u32 v1, $0x10;
	v14 =	vld [tilespmem:s17+$0xFFFFFFD0];
	v4 =	vadd.f32 v4, v10;
	v1 =	vand.u32 $0xFFFF0000, v1  }
0xf8: {  	s10 =	simm.s32 $0x1A660;
	v9 =	vshll.u32 v9, $0x10;
	v10 =	vld [tilespmem:s9+$0x0];
	v3 =	vadd.f32 v13, v3;
	v1 =	vadd.f32 v1, v5;
	[tilespmem:s19+$0x20] =	vst v7  }
0xf9: {  	v5 =	vshll.u32 v2, $0x10;
	v2 =	vand.u32 $0xFFFF0000, v2;
	v7 =	vshll.u32 v8, $0x10;
	v8 =	vld [tilespmem:s10+$0x0];
	[tilespmem:s19+$0x60] =	vst v4  }
0xfa: {  	[tilespmem:s20+$0x70] =	vst v12;
	v4 =	vshll.u32 v0, $0x10;
	v13 =	vshll.u32 v11, $0x10;
	v15 =	vshll.u32 v6, $0x10;
	v16 =	vld [tilespmem:s29+$0x30]  }
0xfb: {  	v11 =	vand.u32 $0xFFFF0000, v11;
	v6 =	vand.u32 $0xFFFF0000, v6;
	[tilespmem:s19+$0xFFFFFF90] =	vst v3;
	v3 =	vld [tilespmem:s10+$0xFFFFFFC0];
	v12 =	vadd.f32 v15, v13  }
0xfc: {  	v0 =	vand.u32 $0xFFFF0000, v0;
	v4 =	vadd.f32 v4, v5;
	[tilespmem:s19+$0xFFFFFFD0] =	vst v1;
	v13 =	vld [tilespmem:s15+$0x30];
	v6 =	vadd.f32 v6, v11  }
0xfd: {  	v0 =	vadd.f32 v0, v2;
	v5 =	vld [tilespmem:s9+$0xFFFFFFC0];
	v7 =	vadd.f32 v7, v9;
	[tilespmem:s22+$0x10] =	vst v12  }
0xfe: {  	v2 =	vshll.u32 v14, $0x10;
	v11 =	vand.u32 $0xFFFF0000, v14;
	v9 =	vshll.u32 v10, $0x10;
	v12 =	vld [tilespmem:s7+$0xFFFFFFD0];
	[tilespmem:s22+$0x50] =	vst v6  }
0xff: {  	[tilespmem:s20+$0xFFFFFFA0] =	vst v4;
	v6 =	vand.u32 $0xFFFF0000, v10;
	v1 =	vshll.u32 v8, $0x10;
	v8 =	vand.u32 $0xFFFF0000, v8;
	v10 =	vld [tilespmem:s17+$0x20]  }
0x100: {  	[tilespmem:s20+$0xFFFFFFE0] =	vst v0;
	v1 =	vadd.f32 v1, v9;
	v4 =	vadd.f32 v8, v6;
	v6 =	vld [tilespmem:s7+$0x20];
	v8 =	vand.u32 $0xFFFF0000, v16  }
0x101: {  	s11 =	simm.s32 $0x1C620;
	v14 =	vld [tilespmem:s29+$0xFFFFFFE0];
	[tilespmem:s20+$0x30] =	vst v7;
	v9 =	vshll.u32 v3, $0x10;
	v3 =	vand.u32 $0xFFFF0000, v3;
	v0 =	vand.u32 $0xFFFF0000, v13  }
0x102: {  	v15 =	vld [tilespmem:s16+$0xFFFFFFF0];
	[tilespmem:s11+$0x0] =	vst v1;
	v0 =	vadd.f32 v0, v8;
	v1 =	vshll.u32 v5, $0x10;
	v5 =	vand.u32 $0xFFFF0000, v5  }
0x103: {  	v8 =	vld [tilespmem:s15+$0xFFFFFFE0];
	[tilespmem:s11+$0x40] =	vst v4;
	v4 =	vshll.u32 v16, $0x10;
	v1 =	vadd.f32 v9, v1;
	v9 =	vshll.u32 v12, $0x10  }
0x104: {  	v3 =	vadd.f32 v3, v5;
	v5 =	vld [tilespmem:s9+$0x10];
	[tilespmem:s19+$0x70] =	vst v0;
	v0 =	vadd.f32 v9, v2;
	v2 =	vand.u32 $0xFFFF0000, v12  }
0x105: {  	v9 =	vshll.u32 v13, $0x10;
	v12 =	vshll.u32 v10, $0x10;
	[tilespmem:s11+$0xFFFFFF80] =	vst v1;
	v1 =	vld [tilespmem:s10+$0x10];
	v13 =	vshll.u32 v6, $0x10  }
0x106: {  	v10 =	vand.u32 $0xFFFF0000, v10;
	[tilespmem:s11+$0xFFFFFFC0] =	vst v3;
	v6 =	vand.u32 $0xFFFF0000, v6;
	v3 =	vadd.f32 v13, v12;
	v12 =	vld [tilespmem:s8+$0xFFFFFFF0]  }
0x107: {  	s13 =	simm.s32 $0x192E0;
	v2 =	vadd.f32 v2, v11;
	v7 =	vld [tilespmem:s9+$0xFFFFFFD0];
	v6 =	vadd.f32 v6, v10;
	v10 =	vshll.u32 v14, $0x10;
	[tilespmem:s22+$0xFFFFFF90] =	vst v0  }
0x108: {  	s30 =	simm.s32 $0x1A6E0;
	v13 =	vld [tilespmem:s13+$0x0];
	v0 =	vand.u32 $0xFFFF0000, v15;
	v11 =	vshll.u32 v8, $0x10;
	v8 =	vand.u32 $0xFFFF0000, v8;
	[tilespmem:s22+$0x20] =	vst v3  }
0x109: {  	v3 =	vand.u32 $0xFFFF0000, v14;
	v10 =	vadd.f32 v11, v10;
	v11 =	vld [tilespmem:s30+$0x0];
	[tilespmem:s22+$0x60] =	vst v6;
	v6 =	vshll.u32 v15, $0x10  }
0x10a: {  	v3 =	vadd.f32 v8, v3;
	v8 =	vshll.u32 v5, $0x10;
	v15 =	vld [tilespmem:s17+$0x30];
	v14 =	vshll.u32 v1, $0x10  }
0x10b: {  	[tilespmem:s22+$0xFFFFFFD0] =	vst v2;
	v5 =	vand.u32 $0xFFFF0000, v5;
	v1 =	vand.u32 $0xFFFF0000, v1;
	v2 =	vadd.f32 v14, v8;
	v14 =	vld [tilespmem:s7+$0x30]  }
0x10c: {  	v9 =	vadd.f32 v9, v4;
	[tilespmem:s19+$0xFFFFFFA0] =	vst v10;
	v8 =	vld [tilespmem:s30+$0xFFFFFFC0];
	v10 =	vshll.u32 v7, $0x10;
	v5 =	vadd.f32 v1, v5  }
0x10d: {  	v16 =	vand.u32 $0xFFFF0000, v7;
	v7 =	vld [tilespmem:s13+$0xFFFFFFC0];
	v1 =	vand.u32 $0xFFFF0000, v12;
	[tilespmem:s11+$0x10] =	vst v2;
	v2 =	vshll.u32 v12, $0x10  }
0x10e: {  	v4 =	vshll.u32 v13, $0x10;
	v12 =	vshll.u32 v11, $0x10;
	[tilespmem:s11+$0x50] =	vst v5;
	v5 =	vld [tilespmem:s10+$0xFFFFFFD0];
	v2 =	vadd.f32 v2, v6  }
0x10f: {  	[tilespmem:s19+$0xFFFFFFE0] =	vst v3;
	v3 =	vadd.f32 v12, v4;
	v4 =	vand.u32 $0xFFFF0000, v13;
	v6 =	vand.u32 $0xFFFF0000, v11;
	v11 =	vld [tilespmem:s9+$0x20]  }
0x110: {  	[tilespmem:s19+$0x30] =	vst v9;
	v13 =	vld [tilespmem:s10+$0x20];
	v12 =	vand.u32 $0xFFFF0000, v15;
	v4 =	vadd.f32 v6, v4;
	v17 =	vand.u32 $0xFFFF0000, v14  }
0x111: {  	s14 =	simm.s32 $0x1C720;
	v6 =	vld [tilespmem:s17+$0xFFFFFFE0];
	[tilespmem:s20+$0xFFFFFFB0] =	vst v2;
	v18 =	vshll.u32 v8, $0x10;
	v8 =	vand.u32 $0xFFFF0000, v8;
	v2 =	vshll.u32 v15, $0x10  }
0x112: {  	[tilespmem:s14+$0x0] =	vst v3;
	v3 =	vadd.f32 v17, v12;
	v12 =	vshll.u32 v7, $0x10;
	v17 =	vand.u32 $0xFFFF0000, v7;
	v7 =	vld [tilespmem:s7+$0xFFFFFFE0]  }
0x113: {  	[tilespmem:s14+$0x40] =	vst v4;
	v4 =	vld [tilespmem:s29+$0xFFFFFFF0];
	v12 =	vadd.f32 v18, v12;
	v15 =	vadd.f32 v8, v17;
	v17 =	vshll.u32 v5, $0x10  }
0x114: {  	v8 =	vld [tilespmem:s13+$0x10];
	v5 =	vand.u32 $0xFFFF0000, v5;
	[tilespmem:s22+$0x70] =	vst v3;
	v17 =	vadd.f32 v17, v10;
	v3 =	vshll.u32 v14, $0x10  }
0x115: {  	v10 =	vld [tilespmem:s30+$0x10];
	v9 =	vadd.f32 v5, v16;
	v5 =	vshll.u32 v11, $0x10;
	[tilespmem:s14+$0xFFFFFF80] =	vst v12;
	v12 =	vshll.u32 v13, $0x10  }
0x116: {  	s16 =	simm.s32 $0x1A6E0;
	v14 =	vand.u32 $0xFFFF0000, v11;
	[tilespmem:s14+$0xFFFFFFC0] =	vst v15;
	v13 =	vand.u32 $0xFFFF0000, v13;
	v12 =	vadd.f32 v12, v5;
	v5 =	vld [tilespmem:s15+$0xFFFFFFF0]  }
0x117: {  	s8 =	simm.s32 $0x8;
	s29 =	sadd.s32 s1, s12;
	v11 =	vld [tilespmem:s13+$0xFFFFFFD0];
	s15 =	simm.s32 $0x19360;
	[tilespmem:s11+$0xFFFFFF90] =	vst v17;
	v15 =	vadd.f32 v13, v14;
	v13 =	vshll.u32 v6, $0x10;
	v14 =	vshll.u32 v7, $0x10  }
.LBB2_5:
0x118: {  	v16 =	vld [tilespmem:s15+$0x0];
	s30 =	sadd.s32 $0x80, s30;
	[tilespmem:s11+$0x20] =	vst v12;
	v12 =	vadd.f32 v14, v13;
	v6 =	vand.u32 $0xFFFF0000, v6;
	v7 =	vand.u32 $0xFFFF0000, v7  }
0x119: {  	v13 =	vld [tilespmem:s30+$0x0];
	[tilespmem:s11+$0x60] =	vst v15;
	v6 =	vadd.f32 v7, v6;
	v7 =	vshll.u32 v4, $0x10;
	v4 =	vand.u32 $0xFFFF0000, v4  }
0x11a: {  	v17 =	vadd.f32 v1, v0;
	v14 =	vshll.u32 v8, $0x10;
	v15 =	vshll.u32 v10, $0x10;
	[tilespmem:s11+$0xFFFFFFD0] =	vst v9;
	v9 =	vld [tilespmem:s9+$0x30];
	v0 =	vmovc v4  }
0x11b: {  	v4 =	vand.u32 $0xFFFF0000, v8;
	v8 =	vand.u32 $0xFFFF0000, v10;
	v1 =	vadd.f32 v15, v14;
	v10 =	vld [tilespmem:s10+$0x30];
	[tilespmem:s22+$0xFFFFFFA0] =	vst v12  }
0x11c: {  	v4 =	vadd.f32 v8, v4;
	v12 =	vld [tilespmem:s30+$0xFFFFFFC0];
	v14 =	vshll.u32 v11, $0x10;
	v11 =	vand.u32 $0xFFFF0000, v11;
	[tilespmem:s22+$0xFFFFFFE0] =	vst v6  }
0x11d: {  	v15 =	vadd.f32 v3, v2;
	v2 =	vshll.u32 v5, $0x10;
	v8 =	vld [tilespmem:s15+$0xFFFFFFC0];
	[tilespmem:s14+$0x10] =	vst v1;
	v1 =	vand.u32 $0xFFFF0000, v5  }
0x11e: {  	v2 =	vadd.f32 v2, v7;
	v3 =	vshll.u32 v16, $0x10;
	v5 =	vshll.u32 v13, $0x10;
	v18 =	vld [tilespmem:s16+$0xFFFFFFD0];
	[tilespmem:s14+$0x50] =	vst v4  }
0x11f: {  	v4 =	vand.u32 $0xFFFF0000, v16;
	v3 =	vadd.f32 v5, v3;
	v5 =	vand.u32 $0xFFFF0000, v13;
	v13 =	vld [tilespmem:s13+$0x20];
	[tilespmem:s20+$0xFFFFFFF0] =	vst v17;
	s20 =	smov.u32 s19;
	s19 =	smov.u32 s22;
	s22 =	smov.u32 s11  }
0x120: {  	s8 =	sadd.s32 $0x2, s8;
	v7 =	vand.u32 $0xFFFF0000, v9;
	s11 =	smov.u32 s14;
	s14 =	sadd.s32 $0x100, s14;
	v4 =	vadd.f32 v5, v4;
	v5 =	vld [tilespmem:s16+$0x20];
	v16 =	vand.u32 $0xFFFF0000, v10;
	[tilespmem:s20+$0xFFFFFFB0] =	vst v2  }
0x121: {  	p0 =	slt.u32 s8, $0x26;
	v17 =	vshll.u32 v12, $0x10;
	v12 =	vand.u32 $0xFFFF0000, v12;
	[tilespmem:s14+$0x0] =	vst v3;
	v6 =	vld [tilespmem:s9+$0xFFFFFFE0];
	v3 =	vadd.f32 v16, v7  }
0x122: {  	v2 =	vshll.u32 v9, $0x10;
	v16 =	vshll.u32 v8, $0x10;
	v8 =	vand.u32 $0xFFFF0000, v8;
	[tilespmem:s14+$0x40] =	vst v4;
	v7 =	vld [tilespmem:s10+$0xFFFFFFE0]  }
.Ltmp3:
0x123: {  	v9 =	vadd.f32 v17, v16;
	v12 =	vadd.f32 v12, v8;
	v16 =	vshll.u32 v18, $0x10;
	[tilespmem:s22+$0x70] =	vst v3;
	v4 =	vld [tilespmem:s17+$0xFFFFFFF0];
	s17 =	smov.u32 s9;
	s9 =	smov.u32 s13;
	(pc) =	sbr.rel @p0 .LBB2_5-.Ltmp3, $4  }
0x124: {  	v3 =	vshll.u32 v10, $0x10;
	s13 =	smov.u32 s15;
	v8 =	vld [tilespmem:s15+$0x10];
	v14 =	vadd.f32 v16, v14;
	v16 =	vand.u32 $0xFFFF0000, v18;
	[tilespmem:s19+$0x30] =	vst v15  }
0x125: {  	[tilespmem:s14+$0xFFFFFF80] =	vst v9;
	v10 =	vld [tilespmem:s30+$0x10];
	v9 =	vadd.f32 v16, v11;
	v11 =	vshll.u32 v13, $0x10;
	v15 =	vshll.u32 v5, $0x10  }
0x126: {  	v13 =	vand.u32 $0xFFFF0000, v13;
	[tilespmem:s14+$0xFFFFFFC0] =	vst v12;
	v12 =	vadd.f32 v15, v11;
	v15 =	vand.u32 $0xFFFF0000, v5;
	v5 =	vld [tilespmem:s7+$0xFFFFFFF0];
	s7 =	smov.u32 s10;
	s10 =	smov.u32 s16;
	s16 =	smov.u32 s30  }
0x127: {  	s15 =	sadd.s32 $0x80, s15;
	v11 =	vld [tilespmem:s13+$0xFFFFFFD0];
	[tilespmem:s11+$0xFFFFFF90] =	vst v14;
	v15 =	vadd.f32 v15, v13;
	v13 =	vshll.u32 v6, $0x10;
	v14 =	vshll.u32 v7, $0x10  }
0x128: {  	v56 =	vld [tilespmem:s16+$0xFFFFFFD0];
	_ =	sdelay $0x2  }
0x129: {  	[tilespmem:s11+$0x20] =	vst v12;
	v16 =	vshll.u32 v8, $0x10;
	v17 =	vshll.u32 v10, $0x10  }
0x12a: {  	[tilespmem:s11+$0xFFFFFFD0] =	vst v9;
	v54 =	vand.u32 $0xFFFF0000, v8;
	v55 =	vand.u32 $0xFFFF0000, v10;
	v16 =	vadd.f32 v17, v16  }
0x12b: {  	[tilespmem:s11+$0x60] =	vst v15;
	v8 =	vadd.f32 v55, v54;
	v57 =	vshll.u32 v11, $0x10;
	v59 =	vshll.u32 v56, $0x10  }
0x12c: {  	v18 =	vld [tilespmem:s9+$0xFFFFFFE0];
	v62 =	vand.u32 $0xFFFF0000, v11;
	[tilespmem:s14+$0x10] =	vst v16;
	v63 =	vand.u32 $0xFFFF0000, v56;
	v60 =	vadd.f32 v59, v57  }
0x12d: {  	v19 =	vld [tilespmem:s10+$0xFFFFFFE0];
	[tilespmem:s14+$0x50] =	vst v8;
	v11 =	vadd.f32 v63, v62  }
0x12e: {  	v13 =	vadd.f32 v14, v13;
	v8 =	vld [tilespmem:s13+$0x20];
	[tilespmem:s14+$0xFFFFFF90] =	vst v60  }
0x12f: {  	v0 =	vadd.f32 v1, v0;
	v58 =	vld [tilespmem:s16+$0x20];
	[tilespmem:s14+$0xFFFFFFD0] =	vst v11  }
0x130: {  	v6 =	vand.u32 $0xFFFF0000, v6;
	v7 =	vand.u32 $0xFFFF0000, v7;
	v2 =	vadd.f32 v3, v2;
	[tilespmem:s22+$0xFFFFFFA0] =	vst v13;
	v11 =	vld [tilespmem:s13+$0xFFFFFFE0]  }
0x131: {  	v26 =	vshll.u32 v4, $0x10;
	v6 =	vadd.f32 v7, v6;
	[tilespmem:s20+$0xFFFFFFF0] =	vst v0;
	v27 =	vshll.u32 v5, $0x10;
	v25 =	vld [tilespmem:s16+$0xFFFFFFE0]  }
0x132: {  	[tilespmem:s22+$0x30] =	vst v2;
	v29 =	vadd.f32 v27, v26;
	v31 =	vshll.u32 v18, $0x10;
	v32 =	vshll.u32 v19, $0x10  }
0x133: {  	v61 =	vld [tilespmem:s9+$0x30];
	[tilespmem:s22+$0xFFFFFFE0] =	vst v6;
	v34 =	vand.u32 $0xFFFF0000, v18;
	v14 =	vand.u32 $0xFFFF0000, v19;
	v12 =	vadd.f32 v32, v31  }
0x134: {  	v20 =	vld [tilespmem:s10+$0x30];
	[tilespmem:s19+$0xFFFFFFB0] =	vst v29;
	v37 =	vadd.f32 v14, v34;
	v21 =	vshll.u32 v8, $0x10;
	v22 =	vshll.u32 v58, $0x10  }
0x135: {  	v30 =	vld [tilespmem:s17+$0xFFFFFFF0];
	[tilespmem:s11+$0xFFFFFFA0] =	vst v12;
	v23 =	vand.u32 $0xFFFF0000, v8;
	v24 =	vand.u32 $0xFFFF0000, v58;
	v1 =	vadd.f32 v22, v21  }
0x136: {  	v33 =	vld [tilespmem:s7+$0xFFFFFFF0];
	[tilespmem:s11+$0xFFFFFFE0] =	vst v37;
	v28 =	vadd.f32 v24, v23;
	v40 =	vshll.u32 v11, $0x10;
	v41 =	vshll.u32 v25, $0x10  }
0x137: {  	v43 =	vld [tilespmem:s9+$0xFFFFFFF0];
	[tilespmem:s14+$0x20] =	vst v1;
	v11 =	vand.u32 $0xFFFF0000, v11;
	v9 =	vand.u32 $0xFFFF0000, v25;
	v42 =	vadd.f32 v41, v40  }
0x138: {  	v44 =	vand.u32 $0xFFFF0000, v4;
	v45 =	vand.u32 $0xFFFF0000, v5;
	v46 =	vld [tilespmem:s10+$0xFFFFFFF0];
	[tilespmem:s14+$0x60] =	vst v28;
	v9 =	vadd.f32 v9, v11  }
0x139: {  	v3 =	vadd.f32 v45, v44;
	v35 =	vand.u32 $0xFFFF0000, v61;
	v36 =	vand.u32 $0xFFFF0000, v20;
	v38 =	vld [tilespmem:s13+$0x30];
	[tilespmem:s14+$0xFFFFFFA0] =	vst v42  }
0x13a: {  	v10 =	vshll.u32 v61, $0x10;
	v7 =	vshll.u32 v20, $0x10;
	v0 =	vadd.f32 v36, v35;
	v39 =	vld [tilespmem:s16+$0x30];
	[tilespmem:s14+$0xFFFFFFE0] =	vst v9  }
0x13b: {  	[tilespmem:s19+$0xFFFFFFF0] =	vst v3;
	v7 =	vadd.f32 v7, v10;
	v47 =	vshll.u32 v30, $0x10;
	v48 =	vshll.u32 v33, $0x10;
	v9 =	vld [tilespmem:s13+$0xFFFFFFF0]  }
0x13c: {  	v54 =	vand.u32 $0xFFFF0000, v30;
	[tilespmem:s11+$0x70] =	vst v0;
	v49 =	vadd.f32 v48, v47;
	v1 =	vand.u32 $0xFFFF0000, v33;
	v53 =	vld [tilespmem:s16+$0xFFFFFFF0]  }
0x13d: {  	[tilespmem:s11+$0x30] =	vst v7;
	v55 =	vshll.u32 v43, $0x10;
	v1 =	vadd.f32 v1, v54;
	v56 =	vshll.u32 v46, $0x10  }
0x13e: {  	[tilespmem:s22+$0xFFFFFFB0] =	vst v49;
	v0 =	vand.u32 $0xFFFF0000, v43;
	v5 =	vand.u32 $0xFFFF0000, v46;
	v2 =	vadd.f32 v56, v55  }
0x13f: {  	v0 =	vadd.f32 v5, v0;
	[tilespmem:s22+$0xFFFFFFF0] =	vst v1;
	v50 =	vand.u32 $0xFFFF0000, v38;
	v51 =	vand.u32 $0xFFFF0000, v39  }
0x140: {  	[tilespmem:s11+$0xFFFFFFB0] =	vst v2;
	v57 =	vshll.u32 v38, $0x10;
	v58 =	vshll.u32 v39, $0x10;
	v52 =	vadd.f32 v51, v50  }
0x141: {  	[tilespmem:s11+$0xFFFFFFF0] =	vst v0;
	v59 =	vadd.f32 v58, v57;
	v60 =	vshll.u32 v9, $0x10;
	v61 =	vshll.u32 v53, $0x10  }
.Ltmp4:
0x142: {  	[tilespmem:s14+$0x70] =	vst v52;
	v62 =	vand.u32 $0xFFFF0000, v9;
	v4 =	vand.u32 $0xFFFF0000, v53;
	v1 =	vadd.f32 v61, v60;
	(pc) =	sbr.rel @p1 .LBB2_8-.Ltmp4, $4  }
0x143: {  	s30 =	sshll.u32 s29, $0x4;
	[tilespmem:s14+$0x30] =	vst v59;
	v63 =	vadd.f32 v4, v62  }
0x144: {  	s7 =	sand.u32 $0x1FFFFF80, s30;
	[tilespmem:s14+$0xFFFFFFB0] =	vst v1  }
0x145: {  	s7 =	sadd.s32 s5, s7;
	[tilespmem:s14+$0xFFFFFFF0] =	vst v63  }
0x146: {  	[hbm4b:s7+s4] =	stream.linear.scatter [tilespmem:s28], [sflag:$0x4], $0x1400, $0x38;
	[tilespmem:$0x1D6A0] =	vst v63  }
.Ltmp5:
0x147: {  	(pc) =	sbr.rel .LBB2_2-.Ltmp5, $4  }
0x148: {  	s7 =	sadd.s32 $0x78, s1  }
0x149: {  	[tilespmem:s21], [sflag:$0x2] =	stream.indirect.gather [spmem:s2], $0x40, s7, s18, $0xb8;
	[tilespmem:$0x1D6A0] =	vst v63  }
0x14a: {  	s30 =	sadd.s32 $0x2788, s1;
	s0 =	sadd.s32 $0x1, s0  }
0x14b: {  	[tilespmem:s23], [sflag:$0x2] =	stream.indirect.gather [spmem:s3], $0x40, s30, s18, $0xb8;
	[tilespmem:$0x1D6A0] =	vst v63  }
.LBB2_9:
0x14c: {  	_ =	sfence.sel $0x180000  }
0x14d: {  	[bflag:$0x0] =	sbarrier.arrive $0xFFFF  }
0x14e: {  	_ =	strace $0x90000047  }
0x14f: {  	s0 =	stileid.u32;
	[bflag:$0x2] =	sbarrier.arrive $0xFFFF  }
0x150: {  	p0 =	sne.s32 s0, $0x0;
	s0 =	rddreg [dreg:$0x6]  }
0x151: {  	s0 =	sadd.s32 @!p0 $0x100000, s0  }
0x152: {  	[sflag:s0] =	ssyncadd.tile.s32 @!p0 $0x1;
	_ =	shalt  }
.Lfunc_end2:
_tile_overlayer_lowered:
.L_overlay_start_2:
0x153: {  	(tag) =	ssettag $0x2  }
0x154: {  	s0 =	rddreg [dreg:$0x0];
	s2 =	stileid.u32  }
0x155: {  	s1 =	rddreg [dreg:$0x1];
	p0 =	sne.s32 s2, $0x0  }
0x156: {  	s3 =	rddreg [dreg:$0x2];
	[bflag:$0x3] =	sbarrier.arrive $0xFFFF;
	s2 =	simm.s32 @!p0 $0x1C05  }
0x157: {  	[timem:s3], [sflag:s2] =	dma.local @!p0 [hbm:s0], s1  }
0x158: {  	s0 =	simm.s32 @!p0 $0x5  }
0x159: {  	_ =	swait.ge @!p0 [sflag:s0], s1  }
0x15a: {  	s1 =	ssub.s32 @!p0 $0x0, s1;
	[sflag:s0] =	ssyncset.done @!p0 $0x0  }
0x15b: {  	[sflag:s0] =	ssyncadd.s32 @!p0 s1  }
0x15c: {  	[bflag:$0x3] =	sbarrier.arrive $0xFFFF  }
0x15d: {  	_ =	shalt  }

</sc_bundles>
